<compile_context>
chip_gen: v7x
topology: tpu7x:2x2x1
jax: 0.10.2.dev20260603
libtpu: 0.0.44.dev20260713+nightly
codegen_flags: <defaults>
</compile_context>

<pallas_src>
import functools

import jax
import jax.numpy as jnp
from jax import lax
from jax.experimental import pallas as pl
from jax.experimental.pallas import tpu as pltpu
from jax.experimental.pallas import tpu_sc as plsc

N_ATOMS = 100000
FEAT = 128
NC, NS = 2, 16
NW = NC * NS
CHUNK = 128
ROWS_W = 3128
ROWS_LAST = N_ATOMS - (NW - 1) * ROWS_W
NCHUNK = 25
NBUF = 5

_mesh = plsc.VectorSubcoreMesh(core_axis_name="c", subcore_axis_name="s")


@functools.partial(
    pl.kernel,
    out_type=jax.ShapeDtypeStruct((N_ATOMS, FEAT), jnp.float32),
    mesh=_mesh,
    scratch_types=[
        pltpu.VMEM((NCHUNK * CHUNK,), jnp.int32),
        pltpu.VMEM_SHARED((94, FEAT), jnp.float32),
        [pltpu.VMEM((CHUNK, FEAT), jnp.float32) for _ in range(NBUF)],
        [pltpu.SemaphoreType.DMA for _ in range(NBUF)],
        [pltpu.SemaphoreType.DMA for _ in range(NBUF)],
        pltpu.SemaphoreType.DMA,
        pltpu.SemaphoreType.DMA,
    ],
    compiler_params=pltpu.CompilerParams(use_tc_tiling_on_sc=False),
)
def _embed(
    idx_hbm, table_hbm, out_hbm, idx_v, table_v, bufs, gsems, ssems, isem, tsem
):
    wid = lax.axis_index("s") * NC + lax.axis_index("c")
    base = pl.multiple_of(wid * ROWS_W, 8)
    rows = jnp.where(wid == NW - 1, ROWS_LAST, ROWS_W)

    def chunk_off(j):
        return pl.multiple_of(jnp.minimum(j * CHUNK, rows - CHUNK), 8)

    STAGE_HEAD = 2904
    STAGE_TAIL = 224
    tail_off = pl.multiple_of(rows - STAGE_TAIL, 8)
    cp_head = pltpu.make_async_copy(
        idx_hbm.at[pl.ds(base, STAGE_HEAD)], idx_v.at[pl.ds(0, STAGE_HEAD)], isem
    )
    cp_tail = pltpu.make_async_copy(
        idx_hbm.at[pl.ds(base + tail_off, STAGE_TAIL)],
        idx_v.at[pl.ds(tail_off, STAGE_TAIL)],
        isem,
    )
    cp_head.start()
    cp_tail.start()

    TROWS = 6
    toff = jnp.minimum(lax.axis_index("s") * TROWS, 94 - TROWS)
    cp_tab = pltpu.make_async_copy(
        table_hbm.at[pl.ds(toff, TROWS)], table_v.at[pl.ds(toff, TROWS)], tsem
    )
    cp_tab.start()
    cp_tab.wait()
    plsc.subcore_barrier()
    cp_head.wait()
    cp_tail.wait()

    def outer(k, carry):
        for b in range(NBUF):
            j = k * NBUF + b

            @pl.when(k > 0)
            def _():
                pltpu.make_async_copy(
                    bufs[b], out_hbm.at[pl.ds(base, CHUNK)], ssems[b]
                ).wait()

            pltpu.make_async_copy(
                table_v.at[idx_v.at[pl.ds(chunk_off(j), CHUNK)]], bufs[b], gsems[b]
            ).start()
        for b in range(NBUF):
            j = k * NBUF + b
            pltpu.make_async_copy(
                table_v.at[idx_v.at[pl.ds(chunk_off(j), CHUNK)]], bufs[b], gsems[b]
            ).wait()
            pltpu.make_async_copy(
                bufs[b],
                out_hbm.at[pl.ds(base + chunk_off(j), CHUNK)],
                ssems[b],
            ).start()
        return carry

    lax.fori_loop(0, NCHUNK // NBUF, outer, 0)
    for b in range(NBUF):
        pltpu.make_async_copy(
            bufs[b], out_hbm.at[pl.ds(base, CHUNK)], ssems[b]
        ).wait()


def kernel(atomic_numbers, table):
    out = _embed(atomic_numbers.astype(jnp.int32).reshape(N_ATOMS), table)
    return out.reshape(N_ATOMS, 1, FEAT)

# --- scband reference (transcript-rebuilt; emitter-appended) ---
"""Pipeline reference for scband-atom-embedding-55757265436835 (READ-ONLY COPY).

The authoritative reference and input builder live on the scoring server;
editing this copy changes nothing except your own understanding.
"""

import jax, jax.numpy as jnp
import numpy as np

N_ATOMS = 100000
MAX_ELEMENTS = 94
FEAT_DIM = 128

def setup_inputs(seed: int = 0) -> dict:
    key = jax.random.key(seed)
    k1, k2 = jax.random.split(key)
    atomic_numbers = jax.random.randint(k1, (N_ATOMS, 1), 0, MAX_ELEMENTS, dtype=jnp.int64 if jax.config.jax_enable_x64 else jnp.int32)
    # learned embedding table (nn.Embedding default init: N(0,1))
    table = jax.random.normal(k2, (MAX_ELEMENTS, FEAT_DIM), dtype=jnp.float32)
    return {"atomic_numbers": atomic_numbers, "table": table}

def reference(atomic_numbers, table):
    # nn.Embedding lookup: gather rows of table by atomic number
    # atomic_numbers: [n_atom, 1] -> output [n_atom, 1, feat_dim]
    return jnp.take(table, atomic_numbers, axis=0)

if __name__ == "__main__":
    import jax
    _d = setup_inputs()
    print(jax.jit(kernel)(*tuple(_d.values())))

</pallas_src>

<mosaic_0001>
#map = affine_map<(d0, d1) -> (0)>
#map1 = affine_map<(d0, d1) -> (0, 0)>
module attributes {stable_mosaic.version = 14 : i64} {
  func.func @_embed(%arg0: i32, %arg1: i32, %arg2: memref<100000xi32, #tpu.memory_space<hbm>>, %arg3: memref<94x128xf32, #tpu.memory_space<hbm>>, %arg4: memref<100000x128xf32, #tpu.memory_space<hbm>>, %arg5: memref<3200xi32, #tpu.memory_space<vmem>>, %arg6: memref<94x128xf32, #tpu.memory_space<vmem_shared>>, %arg7: memref<128x128xf32, #tpu.memory_space<vmem>>, %arg8: memref<128x128xf32, #tpu.memory_space<vmem>>, %arg9: memref<128x128xf32, #tpu.memory_space<vmem>>, %arg10: memref<128x128xf32, #tpu.memory_space<vmem>>, %arg11: memref<128x128xf32, #tpu.memory_space<vmem>>, %arg12: memref<!tpu.dma_semaphore, #tpu.memory_space<semaphore_mem>>, %arg13: memref<!tpu.dma_semaphore, #tpu.memory_space<semaphore_mem>>, %arg14: memref<!tpu.dma_semaphore, #tpu.memory_space<semaphore_mem>>, %arg15: memref<!tpu.dma_semaphore, #tpu.memory_space<semaphore_mem>>, %arg16: memref<!tpu.dma_semaphore, #tpu.memory_space<semaphore_mem>>, %arg17: memref<!tpu.dma_semaphore, #tpu.memory_space<semaphore_mem>>, %arg18: memref<!tpu.dma_semaphore, #tpu.memory_space<semaphore_mem>>, %arg19: memref<!tpu.dma_semaphore, #tpu.memory_space<semaphore_mem>>, %arg20: memref<!tpu.dma_semaphore, #tpu.memory_space<semaphore_mem>>, %arg21: memref<!tpu.dma_semaphore, #tpu.memory_space<semaphore_mem>>, %arg22: memref<!tpu.dma_semaphore, #tpu.memory_space<semaphore_mem>>, %arg23: memref<!tpu.dma_semaphore, #tpu.memory_space<semaphore_mem>>) attributes {dimension_semantics = [#tpu.dimension_semantics<core_parallel>, #tpu.dimension_semantics<subcore_parallel>], iteration_bounds = array<i64: 2, 16>, scalar_prefetch = 0 : i64, scratch_operands = 19 : i64, tpu.core_type = #tpu.core_type<sc_vector_subcore>, window_params = [{transform_indices = #map}, {transform_indices = #map1}, {transform_indices = #map1}]} {
    %mul3A = arith.constant 2 : i32
    %mul3A_0 = arith.muli %arg1, %mul3A : i32
    %add3A = arith.addi %mul3A_0, %arg0 : i32
    %mul3A_1 = arith.constant 3128 : i32
    %mul3A_2 = arith.muli %add3A, %mul3A_1 : i32
    %multiple_of3A = tpu.assume_multiple %mul3A_2, 8 : i32
    %eq3A = arith.constant 31 : i32
    %eq3A_3 = arith.cmpi eq, %add3A, %eq3A : i32
    %jit3A = arith.constant 3032 : i32
    %jit3A_4 = arith.constant 3128 : i32
    %select_n3A = arith.select %eq3A_3, %jit3A, %jit3A_4 : i32
    %sub3A = arith.constant 224 : i32
    %sub3A_5 = arith.subi %select_n3A, %sub3A : i32
    %multiple_of3A_6 = tpu.assume_multiple %sub3A_5, 8 : i32
    %add3A_7 = arith.addi %multiple_of3A, %multiple_of3A_6 : i32
    %dma_start3A = arith.constant 0 : i32
    %dma_start3A_8 = tpu.memref_slice %arg5[%dma_start3A] : memref<3200xi32, #tpu.memory_space<vmem>> -> memref<2904xi32, #tpu.memory_space<vmem>>
    %dma_start3A_9 = tpu.memref_slice %arg2[%multiple_of3A] : memref<100000xi32, #tpu.memory_space<hbm>> -> memref<2904xi32, #tpu.memory_space<hbm>>
    %dma_start3A_10 = arith.constant 0 : i32
    %dma_start3A_11 = tpu.memref_slice %arg5[%dma_start3A_10] : memref<3200xi32, #tpu.memory_space<vmem>> -> memref<2904xi32, #tpu.memory_space<vmem>>
    %dma_start3A_12 = tpu.memref_slice %arg2[%multiple_of3A] : memref<100000xi32, #tpu.memory_space<hbm>> -> memref<2904xi32, #tpu.memory_space<hbm>>
    tpu.enqueue_dma source(%dma_start3A_12 : memref<2904xi32, #tpu.memory_space<hbm>>) target(%dma_start3A_11 : memref<2904xi32, #tpu.memory_space<vmem>>) target_semaphore(%arg22 : memref<!tpu.dma_semaphore, #tpu.memory_space<semaphore_mem>>)
    %dma_start3A_13 = tpu.memref_slice %arg5[%multiple_of3A_6] : memref<3200xi32, #tpu.memory_space<vmem>> -> memref<224xi32, #tpu.memory_space<vmem>>
    %dma_start3A_14 = tpu.memref_slice %arg2[%add3A_7] : memref<100000xi32, #tpu.memory_space<hbm>> -> memref<224xi32, #tpu.memory_space<hbm>>
    %dma_start3A_15 = tpu.memref_slice %arg5[%multiple_of3A_6] : memref<3200xi32, #tpu.memory_space<vmem>> -> memref<224xi32, #tpu.memory_space<vmem>>
    %dma_start3A_16 = tpu.memref_slice %arg2[%add3A_7] : memref<100000xi32, #tpu.memory_space<hbm>> -> memref<224xi32, #tpu.memory_space<hbm>>
    tpu.enqueue_dma source(%dma_start3A_16 : memref<224xi32, #tpu.memory_space<hbm>>) target(%dma_start3A_15 : memref<224xi32, #tpu.memory_space<vmem>>) target_semaphore(%arg22 : memref<!tpu.dma_semaphore, #tpu.memory_space<semaphore_mem>>)
    %mul3A_17 = arith.constant 6 : i32
    %mul3A_18 = arith.muli %arg1, %mul3A_17 : i32
    %min3A = arith.constant 88 : i32
    %min3A_19 = arith.minsi %mul3A_18, %min3A : i32
    %dma_start3A_20 = arith.constant 0 : i32
    %dma_start3A_21 = tpu.memref_slice %arg6[%min3A_19, %dma_start3A_20] : memref<94x128xf32, #tpu.memory_space<vmem_shared>> -> memref<6x128xf32, #tpu.memory_space<vmem_shared>>
    %dma_start3A_22 = arith.constant 0 : i32
    %dma_start3A_23 = tpu.memref_slice %arg3[%min3A_19, %dma_start3A_22] : memref<94x128xf32, #tpu.memory_space<hbm>> -> memref<6x128xf32, #tpu.memory_space<hbm>>
    tpu.enqueue_dma source(%dma_start3A_23 : memref<6x128xf32, #tpu.memory_space<hbm>>) target(%dma_start3A_21 : memref<6x128xf32, #tpu.memory_space<vmem_shared>>) target_semaphore(%arg23 : memref<!tpu.dma_semaphore, #tpu.memory_space<semaphore_mem>>)
    %dma_wait3A = arith.constant 0 : i32
    %dma_wait3A_24 = tpu.memref_slice %arg6[%min3A_19, %dma_wait3A] : memref<94x128xf32, #tpu.memory_space<vmem_shared>> -> memref<6x128xf32, #tpu.memory_space<vmem_shared>>
    %dma_wait3A_25 = arith.constant 0 : i32
    %dma_wait3A_26 = tpu.memref_slice %arg3[%min3A_19, %dma_wait3A_25] : memref<94x128xf32, #tpu.memory_space<hbm>> -> memref<6x128xf32, #tpu.memory_space<hbm>>
    tpu.wait_dma2 semaphore(%arg23 : memref<!tpu.dma_semaphore, #tpu.memory_space<semaphore_mem>>) src(%dma_wait3A_26 : memref<6x128xf32, #tpu.memory_space<hbm>>) dst(%dma_wait3A_24 : memref<6x128xf32, #tpu.memory_space<vmem_shared>>)
    %barrier3A = arith.constant 0 : index
    tpu.barrier barrier_id(%barrier3A)
    %dma_wait3A_27 = arith.constant 0 : i32
    %dma_wait3A_28 = tpu.memref_slice %arg5[%dma_wait3A_27] : memref<3200xi32, #tpu.memory_space<vmem>> -> memref<2904xi32, #tpu.memory_space<vmem>>
    %dma_wait3A_29 = tpu.memref_slice %arg2[%multiple_of3A] : memref<100000xi32, #tpu.memory_space<hbm>> -> memref<2904xi32, #tpu.memory_space<hbm>>
    %dma_wait3A_30 = arith.constant 0 : i32
    %dma_wait3A_31 = tpu.memref_slice %arg5[%dma_wait3A_30] : memref<3200xi32, #tpu.memory_space<vmem>> -> memref<2904xi32, #tpu.memory_space<vmem>>
    %dma_wait3A_32 = tpu.memref_slice %arg2[%multiple_of3A] : memref<100000xi32, #tpu.memory_space<hbm>> -> memref<2904xi32, #tpu.memory_space<hbm>>
    tpu.wait_dma2 semaphore(%arg22 : memref<!tpu.dma_semaphore, #tpu.memory_space<semaphore_mem>>) src(%dma_wait3A_32 : memref<2904xi32, #tpu.memory_space<hbm>>) dst(%dma_wait3A_31 : memref<2904xi32, #tpu.memory_space<vmem>>)
    %dma_wait3A_33 = tpu.memref_slice %arg5[%multiple_of3A_6] : memref<3200xi32, #tpu.memory_space<vmem>> -> memref<224xi32, #tpu.memory_space<vmem>>
    %dma_wait3A_34 = tpu.memref_slice %arg2[%add3A_7] : memref<100000xi32, #tpu.memory_space<hbm>> -> memref<224xi32, #tpu.memory_space<hbm>>
    %dma_wait3A_35 = tpu.memref_slice %arg5[%multiple_of3A_6] : memref<3200xi32, #tpu.memory_space<vmem>> -> memref<224xi32, #tpu.memory_space<vmem>>
    %dma_wait3A_36 = tpu.memref_slice %arg2[%add3A_7] : memref<100000xi32, #tpu.memory_space<hbm>> -> memref<224xi32, #tpu.memory_space<hbm>>
    tpu.wait_dma2 semaphore(%arg22 : memref<!tpu.dma_semaphore, #tpu.memory_space<semaphore_mem>>) src(%dma_wait3A_36 : memref<224xi32, #tpu.memory_space<hbm>>) dst(%dma_wait3A_35 : memref<224xi32, #tpu.memory_space<vmem>>)
    %scan3A = arith.constant 0 : i32
    %scan3A_37 = arith.constant 0 : i32
    %scan3A_38 = arith.constant 5 : i32
    %scan3A_39 = arith.addi %scan3A_37, %scan3A_38 : i32
    %scan3A_40 = arith.constant 1 : i32
    scf.for %scan3A_62 = %scan3A_37 to %scan3A_39 step %scan3A_40  : i32 {
      %mul3A_63 = arith.constant 5 : i32
      %mul3A_64 = arith.muli %scan3A_62, %mul3A_63 : i32
      %add3A_65 = arith.constant 0 : i32
      %add3A_66 = arith.addi %mul3A_64, %add3A_65 : i32
      %gt3A = arith.constant 0 : i32
      %gt3A_67 = arith.cmpi sgt, %scan3A_62, %gt3A : i32
      %convert_element_type3A = arith.extui %gt3A_67 : i1 to i32
      %cond3A = arith.constant 0 : i32
      %cond3A_68 = arith.cmpi ne, %convert_element_type3A, %cond3A : i32
      scf.if %cond3A_68 {
        %dma_wait3A_280 = arith.constant 0 : i32
        %dma_wait3A_281 = tpu.memref_slice %arg4[%multiple_of3A, %dma_wait3A_280] : memref<100000x128xf32, #tpu.memory_space<hbm>> -> memref<128x128xf32, #tpu.memory_space<hbm>>
        %dma_wait3A_282 = arith.constant 0 : i32
        %dma_wait3A_283 = tpu.memref_slice %arg4[%multiple_of3A, %dma_wait3A_282] : memref<100000x128xf32, #tpu.memory_space<hbm>> -> memref<128x128xf32, #tpu.memory_space<hbm>>
        tpu.wait_dma2 semaphore(%arg17 : memref<!tpu.dma_semaphore, #tpu.memory_space<semaphore_mem>>) src(%arg7 : memref<128x128xf32, #tpu.memory_space<vmem>>) dst(%dma_wait3A_283 : memref<128x128xf32, #tpu.memory_space<hbm>>)
      } else {
      }
      %mul3A_69 = arith.constant 128 : i32
      %mul3A_70 = arith.muli %add3A_66, %mul3A_69 : i32
      %sub3A_71 = arith.constant 128 : i32
      %sub3A_72 = arith.subi %select_n3A, %sub3A_71 : i32
      %min3A_73 = arith.minsi %mul3A_70, %sub3A_72 : i32
      %multiple_of3A_74 = tpu.assume_multiple %min3A_73, 8 : i32
      %dma_start3A_75 = tpu.memref_slice %arg5[%multiple_of3A_74] : memref<3200xi32, #tpu.memory_space<vmem>> -> memref<128xi32, #tpu.memory_space<vmem>>
      %dma_start3A_76 = arith.constant 0 : i32
      %dma_start3A_77 = arith.constant 0 : i32
      %dma_start3A_78 = tpu.memref_slice %arg6[%dma_start3A_76, %dma_start3A_77] : memref<94x128xf32, #tpu.memory_space<vmem_shared>> -> memref<94x128xf32, #tpu.memory_space<vmem_shared>>
      tpu.enqueue_indirect_dma source(%dma_start3A_78 : memref<94x128xf32, #tpu.memory_space<vmem_shared>>) target(%arg7 : memref<128x128xf32, #tpu.memory_space<vmem>>) offsets(%dma_start3A_75 : memref<128xi32, #tpu.memory_space<vmem>>) semaphore(%arg12 : memref<!tpu.dma_semaphore, #tpu.memory_space<semaphore_mem>>)
      %mul3A_79 = arith.constant 5 : i32
      %mul3A_80 = arith.muli %scan3A_62, %mul3A_79 : i32
      %add3A_81 = arith.constant 1 : i32
      %add3A_82 = arith.addi %mul3A_80, %add3A_81 : i32
      %gt3A_83 = arith.constant 0 : i32
      %gt3A_84 = arith.cmpi sgt, %scan3A_62, %gt3A_83 : i32
      %convert_element_type3A_85 = arith.extui %gt3A_84 : i1 to i32
      %cond3A_86 = arith.constant 0 : i32
      %cond3A_87 = arith.cmpi ne, %convert_element_type3A_85, %cond3A_86 : i32
      scf.if %cond3A_87 {
        %dma_wait3A_280 = arith.constant 0 : i32
        %dma_wait3A_281 = tpu.memref_slice %arg4[%multiple_of3A, %dma_wait3A_280] : memref<100000x128xf32, #tpu.memory_space<hbm>> -> memref<128x128xf32, #tpu.memory_space<hbm>>
        %dma_wait3A_282 = arith.constant 0 : i32
        %dma_wait3A_283 = tpu.memref_slice %arg4[%multiple_of3A, %dma_wait3A_282] : memref<100000x128xf32, #tpu.memory_space<hbm>> -> memref<128x128xf32, #tpu.memory_space<hbm>>
        tpu.wait_dma2 semaphore(%arg18 : memref<!tpu.dma_semaphore, #tpu.memory_space<semaphore_mem>>) src(%arg8 : memref<128x128xf32, #tpu.memory_space<vmem>>) dst(%dma_wait3A_283 : memref<128x128xf32, #tpu.memory_space<hbm>>)
      } else {
      }
      %mul3A_88 = arith.constant 128 : i32
      %mul3A_89 = arith.muli %add3A_82, %mul3A_88 : i32
      %sub3A_90 = arith.constant 128 : i32
      %sub3A_91 = arith.subi %select_n3A, %sub3A_90 : i32
      %min3A_92 = arith.minsi %mul3A_89, %sub3A_91 : i32
      %multiple_of3A_93 = tpu.assume_multiple %min3A_92, 8 : i32
      %dma_start3A_94 = tpu.memref_slice %arg5[%multiple_of3A_93] : memref<3200xi32, #tpu.memory_space<vmem>> -> memref<128xi32, #tpu.memory_space<vmem>>
      %dma_start3A_95 = arith.constant 0 : i32
      %dma_start3A_96 = arith.constant 0 : i32
      %dma_start3A_97 = tpu.memref_slice %arg6[%dma_start3A_95, %dma_start3A_96] : memref<94x128xf32, #tpu.memory_space<vmem_shared>> -> memref<94x128xf32, #tpu.memory_space<vmem_shared>>
      tpu.enqueue_indirect_dma source(%dma_start3A_97 : memref<94x128xf32, #tpu.memory_space<vmem_shared>>) target(%arg8 : memref<128x128xf32, #tpu.memory_space<vmem>>) offsets(%dma_start3A_94 : memref<128xi32, #tpu.memory_space<vmem>>) semaphore(%arg13 : memref<!tpu.dma_semaphore, #tpu.memory_space<semaphore_mem>>)
      %mul3A_98 = arith.constant 5 : i32
      %mul3A_99 = arith.muli %scan3A_62, %mul3A_98 : i32
      %add3A_100 = arith.constant 2 : i32
      %add3A_101 = arith.addi %mul3A_99, %add3A_100 : i32
      %gt3A_102 = arith.constant 0 : i32
      %gt3A_103 = arith.cmpi sgt, %scan3A_62, %gt3A_102 : i32
      %convert_element_type3A_104 = arith.extui %gt3A_103 : i1 to i32
      %cond3A_105 = arith.constant 0 : i32
      %cond3A_106 = arith.cmpi ne, %convert_element_type3A_104, %cond3A_105 : i32
      scf.if %cond3A_106 {
        %dma_wait3A_280 = arith.constant 0 : i32
        %dma_wait3A_281 = tpu.memref_slice %arg4[%multiple_of3A, %dma_wait3A_280] : memref<100000x128xf32, #tpu.memory_space<hbm>> -> memref<128x128xf32, #tpu.memory_space<hbm>>
        %dma_wait3A_282 = arith.constant 0 : i32
        %dma_wait3A_283 = tpu.memref_slice %arg4[%multiple_of3A, %dma_wait3A_282] : memref<100000x128xf32, #tpu.memory_space<hbm>> -> memref<128x128xf32, #tpu.memory_space<hbm>>
        tpu.wait_dma2 semaphore(%arg19 : memref<!tpu.dma_semaphore, #tpu.memory_space<semaphore_mem>>) src(%arg9 : memref<128x128xf32, #tpu.memory_space<vmem>>) dst(%dma_wait3A_283 : memref<128x128xf32, #tpu.memory_space<hbm>>)
      } else {
      }
      %mul3A_107 = arith.constant 128 : i32
      %mul3A_108 = arith.muli %add3A_101, %mul3A_107 : i32
      %sub3A_109 = arith.constant 128 : i32
      %sub3A_110 = arith.subi %select_n3A, %sub3A_109 : i32
      %min3A_111 = arith.minsi %mul3A_108, %sub3A_110 : i32
      %multiple_of3A_112 = tpu.assume_multiple %min3A_111, 8 : i32
      %dma_start3A_113 = tpu.memref_slice %arg5[%multiple_of3A_112] : memref<3200xi32, #tpu.memory_space<vmem>> -> memref<128xi32, #tpu.memory_space<vmem>>
      %dma_start3A_114 = arith.constant 0 : i32
      %dma_start3A_115 = arith.constant 0 : i32
      %dma_start3A_116 = tpu.memref_slice %arg6[%dma_start3A_114, %dma_start3A_115] : memref<94x128xf32, #tpu.memory_space<vmem_shared>> -> memref<94x128xf32, #tpu.memory_space<vmem_shared>>
      tpu.enqueue_indirect_dma source(%dma_start3A_116 : memref<94x128xf32, #tpu.memory_space<vmem_shared>>) target(%arg9 : memref<128x128xf32, #tpu.memory_space<vmem>>) offsets(%dma_start3A_113 : memref<128xi32, #tpu.memory_space<vmem>>) semaphore(%arg14 : memref<!tpu.dma_semaphore, #tpu.memory_space<semaphore_mem>>)
      %mul3A_117 = arith.constant 5 : i32
      %mul3A_118 = arith.muli %scan3A_62, %mul3A_117 : i32
      %add3A_119 = arith.constant 3 : i32
      %add3A_120 = arith.addi %mul3A_118, %add3A_119 : i32
      %gt3A_121 = arith.constant 0 : i32
      %gt3A_122 = arith.cmpi sgt, %scan3A_62, %gt3A_121 : i32
      %convert_element_type3A_123 = arith.extui %gt3A_122 : i1 to i32
      %cond3A_124 = arith.constant 0 : i32
      %cond3A_125 = arith.cmpi ne, %convert_element_type3A_123, %cond3A_124 : i32
      scf.if %cond3A_125 {
        %dma_wait3A_280 = arith.constant 0 : i32
        %dma_wait3A_281 = tpu.memref_slice %arg4[%multiple_of3A, %dma_wait3A_280] : memref<100000x128xf32, #tpu.memory_space<hbm>> -> memref<128x128xf32, #tpu.memory_space<hbm>>
        %dma_wait3A_282 = arith.constant 0 : i32
        %dma_wait3A_283 = tpu.memref_slice %arg4[%multiple_of3A, %dma_wait3A_282] : memref<100000x128xf32, #tpu.memory_space<hbm>> -> memref<128x128xf32, #tpu.memory_space<hbm>>
        tpu.wait_dma2 semaphore(%arg20 : memref<!tpu.dma_semaphore, #tpu.memory_space<semaphore_mem>>) src(%arg10 : memref<128x128xf32, #tpu.memory_space<vmem>>) dst(%dma_wait3A_283 : memref<128x128xf32, #tpu.memory_space<hbm>>)
      } else {
      }
      %mul3A_126 = arith.constant 128 : i32
      %mul3A_127 = arith.muli %add3A_120, %mul3A_126 : i32
      %sub3A_128 = arith.constant 128 : i32
      %sub3A_129 = arith.subi %select_n3A, %sub3A_128 : i32
      %min3A_130 = arith.minsi %mul3A_127, %sub3A_129 : i32
      %multiple_of3A_131 = tpu.assume_multiple %min3A_130, 8 : i32
      %dma_start3A_132 = tpu.memref_slice %arg5[%multiple_of3A_131] : memref<3200xi32, #tpu.memory_space<vmem>> -> memref<128xi32, #tpu.memory_space<vmem>>
      %dma_start3A_133 = arith.constant 0 : i32
      %dma_start3A_134 = arith.constant 0 : i32
      %dma_start3A_135 = tpu.memref_slice %arg6[%dma_start3A_133, %dma_start3A_134] : memref<94x128xf32, #tpu.memory_space<vmem_shared>> -> memref<94x128xf32, #tpu.memory_space<vmem_shared>>
      tpu.enqueue_indirect_dma source(%dma_start3A_135 : memref<94x128xf32, #tpu.memory_space<vmem_shared>>) target(%arg10 : memref<128x128xf32, #tpu.memory_space<vmem>>) offsets(%dma_start3A_132 : memref<128xi32, #tpu.memory_space<vmem>>) semaphore(%arg15 : memref<!tpu.dma_semaphore, #tpu.memory_space<semaphore_mem>>)
      %mul3A_136 = arith.constant 5 : i32
      %mul3A_137 = arith.muli %scan3A_62, %mul3A_136 : i32
      %add3A_138 = arith.constant 4 : i32
      %add3A_139 = arith.addi %mul3A_137, %add3A_138 : i32
      %gt3A_140 = arith.constant 0 : i32
      %gt3A_141 = arith.cmpi sgt, %scan3A_62, %gt3A_140 : i32
      %convert_element_type3A_142 = arith.extui %gt3A_141 : i1 to i32
      %cond3A_143 = arith.constant 0 : i32
      %cond3A_144 = arith.cmpi ne, %convert_element_type3A_142, %cond3A_143 : i32
      scf.if %cond3A_144 {
        %dma_wait3A_280 = arith.constant 0 : i32
        %dma_wait3A_281 = tpu.memref_slice %arg4[%multiple_of3A, %dma_wait3A_280] : memref<100000x128xf32, #tpu.memory_space<hbm>> -> memref<128x128xf32, #tpu.memory_space<hbm>>
        %dma_wait3A_282 = arith.constant 0 : i32
        %dma_wait3A_283 = tpu.memref_slice %arg4[%multiple_of3A, %dma_wait3A_282] : memref<100000x128xf32, #tpu.memory_space<hbm>> -> memref<128x128xf32, #tpu.memory_space<hbm>>
        tpu.wait_dma2 semaphore(%arg21 : memref<!tpu.dma_semaphore, #tpu.memory_space<semaphore_mem>>) src(%arg11 : memref<128x128xf32, #tpu.memory_space<vmem>>) dst(%dma_wait3A_283 : memref<128x128xf32, #tpu.memory_space<hbm>>)
      } else {
      }
      %mul3A_145 = arith.constant 128 : i32
      %mul3A_146 = arith.muli %add3A_139, %mul3A_145 : i32
      %sub3A_147 = arith.constant 128 : i32
      %sub3A_148 = arith.subi %select_n3A, %sub3A_147 : i32
      %min3A_149 = arith.minsi %mul3A_146, %sub3A_148 : i32
      %multiple_of3A_150 = tpu.assume_multiple %min3A_149, 8 : i32
      %dma_start3A_151 = tpu.memref_slice %arg5[%multiple_of3A_150] : memref<3200xi32, #tpu.memory_space<vmem>> -> memref<128xi32, #tpu.memory_space<vmem>>
      %dma_start3A_152 = arith.constant 0 : i32
      %dma_start3A_153 = arith.constant 0 : i32
      %dma_start3A_154 = tpu.memref_slice %arg6[%dma_start3A_152, %dma_start3A_153] : memref<94x128xf32, #tpu.memory_space<vmem_shared>> -> memref<94x128xf32, #tpu.memory_space<vmem_shared>>
      tpu.enqueue_indirect_dma source(%dma_start3A_154 : memref<94x128xf32, #tpu.memory_space<vmem_shared>>) target(%arg11 : memref<128x128xf32, #tpu.memory_space<vmem>>) offsets(%dma_start3A_151 : memref<128xi32, #tpu.memory_space<vmem>>) semaphore(%arg16 : memref<!tpu.dma_semaphore, #tpu.memory_space<semaphore_mem>>)
      %mul3A_155 = arith.constant 5 : i32
      %mul3A_156 = arith.muli %scan3A_62, %mul3A_155 : i32
      %add3A_157 = arith.constant 0 : i32
      %add3A_158 = arith.addi %mul3A_156, %add3A_157 : i32
      %mul3A_159 = arith.constant 128 : i32
      %mul3A_160 = arith.muli %add3A_158, %mul3A_159 : i32
      %sub3A_161 = arith.constant 128 : i32
      %sub3A_162 = arith.subi %select_n3A, %sub3A_161 : i32
      %min3A_163 = arith.minsi %mul3A_160, %sub3A_162 : i32
      %multiple_of3A_164 = tpu.assume_multiple %min3A_163, 8 : i32
      %dma_wait3A_165 = tpu.memref_slice %arg5[%multiple_of3A_164] : memref<3200xi32, #tpu.memory_space<vmem>> -> memref<128xi32, #tpu.memory_space<vmem>>
      %dma_wait3A_166 = arith.constant 0 : i32
      %dma_wait3A_167 = arith.constant 0 : i32
      %dma_wait3A_168 = tpu.memref_slice %arg6[%dma_wait3A_166, %dma_wait3A_167] : memref<94x128xf32, #tpu.memory_space<vmem_shared>> -> memref<94x128xf32, #tpu.memory_space<vmem_shared>>
      tpu.wait_indirect_dma semaphore(%arg12 : memref<!tpu.dma_semaphore, #tpu.memory_space<semaphore_mem>>) src(%dma_wait3A_168 : memref<94x128xf32, #tpu.memory_space<vmem_shared>>) dst(%arg7 : memref<128x128xf32, #tpu.memory_space<vmem>>)
      %mul3A_169 = arith.constant 128 : i32
      %mul3A_170 = arith.muli %add3A_158, %mul3A_169 : i32
      %sub3A_171 = arith.constant 128 : i32
      %sub3A_172 = arith.subi %select_n3A, %sub3A_171 : i32
      %min3A_173 = arith.minsi %mul3A_170, %sub3A_172 : i32
      %multiple_of3A_174 = tpu.assume_multiple %min3A_173, 8 : i32
      %add3A_175 = arith.addi %multiple_of3A, %multiple_of3A_174 : i32
      %dma_start3A_176 = arith.constant 0 : i32
      %dma_start3A_177 = tpu.memref_slice %arg4[%add3A_175, %dma_start3A_176] : memref<100000x128xf32, #tpu.memory_space<hbm>> -> memref<128x128xf32, #tpu.memory_space<hbm>>
      %dma_start3A_178 = arith.constant 0 : i32
      %dma_start3A_179 = tpu.memref_slice %arg4[%add3A_175, %dma_start3A_178] : memref<100000x128xf32, #tpu.memory_space<hbm>> -> memref<128x128xf32, #tpu.memory_space<hbm>>
      tpu.enqueue_dma source(%arg7 : memref<128x128xf32, #tpu.memory_space<vmem>>) target(%dma_start3A_179 : memref<128x128xf32, #tpu.memory_space<hbm>>) target_semaphore(%arg17 : memref<!tpu.dma_semaphore, #tpu.memory_space<semaphore_mem>>)
      %mul3A_180 = arith.constant 5 : i32
      %mul3A_181 = arith.muli %scan3A_62, %mul3A_180 : i32
      %add3A_182 = arith.constant 1 : i32
      %add3A_183 = arith.addi %mul3A_181, %add3A_182 : i32
      %mul3A_184 = arith.constant 128 : i32
      %mul3A_185 = arith.muli %add3A_183, %mul3A_184 : i32
      %sub3A_186 = arith.constant 128 : i32
      %sub3A_187 = arith.subi %select_n3A, %sub3A_186 : i32
      %min3A_188 = arith.minsi %mul3A_185, %sub3A_187 : i32
      %multiple_of3A_189 = tpu.assume_multiple %min3A_188, 8 : i32
      %dma_wait3A_190 = tpu.memref_slice %arg5[%multiple_of3A_189] : memref<3200xi32, #tpu.memory_space<vmem>> -> memref<128xi32, #tpu.memory_space<vmem>>
      %dma_wait3A_191 = arith.constant 0 : i32
      %dma_wait3A_192 = arith.constant 0 : i32
      %dma_wait3A_193 = tpu.memref_slice %arg6[%dma_wait3A_191, %dma_wait3A_192] : memref<94x128xf32, #tpu.memory_space<vmem_shared>> -> memref<94x128xf32, #tpu.memory_space<vmem_shared>>
      tpu.wait_indirect_dma semaphore(%arg13 : memref<!tpu.dma_semaphore, #tpu.memory_space<semaphore_mem>>) src(%dma_wait3A_193 : memref<94x128xf32, #tpu.memory_space<vmem_shared>>) dst(%arg8 : memref<128x128xf32, #tpu.memory_space<vmem>>)
      %mul3A_194 = arith.constant 128 : i32
      %mul3A_195 = arith.muli %add3A_183, %mul3A_194 : i32
      %sub3A_196 = arith.constant 128 : i32
      %sub3A_197 = arith.subi %select_n3A, %sub3A_196 : i32
      %min3A_198 = arith.minsi %mul3A_195, %sub3A_197 : i32
      %multiple_of3A_199 = tpu.assume_multiple %min3A_198, 8 : i32
      %add3A_200 = arith.addi %multiple_of3A, %multiple_of3A_199 : i32
      %dma_start3A_201 = arith.constant 0 : i32
      %dma_start3A_202 = tpu.memref_slice %arg4[%add3A_200, %dma_start3A_201] : memref<100000x128xf32, #tpu.memory_space<hbm>> -> memref<128x128xf32, #tpu.memory_space<hbm>>
      %dma_start3A_203 = arith.constant 0 : i32
      %dma_start3A_204 = tpu.memref_slice %arg4[%add3A_200, %dma_start3A_203] : memref<100000x128xf32, #tpu.memory_space<hbm>> -> memref<128x128xf32, #tpu.memory_space<hbm>>
      tpu.enqueue_dma source(%arg8 : memref<128x128xf32, #tpu.memory_space<vmem>>) target(%dma_start3A_204 : memref<128x128xf32, #tpu.memory_space<hbm>>) target_semaphore(%arg18 : memref<!tpu.dma_semaphore, #tpu.memory_space<semaphore_mem>>)
      %mul3A_205 = arith.constant 5 : i32
      %mul3A_206 = arith.muli %scan3A_62, %mul3A_205 : i32
      %add3A_207 = arith.constant 2 : i32
      %add3A_208 = arith.addi %mul3A_206, %add3A_207 : i32
      %mul3A_209 = arith.constant 128 : i32
      %mul3A_210 = arith.muli %add3A_208, %mul3A_209 : i32
      %sub3A_211 = arith.constant 128 : i32
      %sub3A_212 = arith.subi %select_n3A, %sub3A_211 : i32
      %min3A_213 = arith.minsi %mul3A_210, %sub3A_212 : i32
      %multiple_of3A_214 = tpu.assume_multiple %min3A_213, 8 : i32
      %dma_wait3A_215 = tpu.memref_slice %arg5[%multiple_of3A_214] : memref<3200xi32, #tpu.memory_space<vmem>> -> memref<128xi32, #tpu.memory_space<vmem>>
      %dma_wait3A_216 = arith.constant 0 : i32
      %dma_wait3A_217 = arith.constant 0 : i32
      %dma_wait3A_218 = tpu.memref_slice %arg6[%dma_wait3A_216, %dma_wait3A_217] : memref<94x128xf32, #tpu.memory_space<vmem_shared>> -> memref<94x128xf32, #tpu.memory_space<vmem_shared>>
      tpu.wait_indirect_dma semaphore(%arg14 : memref<!tpu.dma_semaphore, #tpu.memory_space<semaphore_mem>>) src(%dma_wait3A_218 : memref<94x128xf32, #tpu.memory_space<vmem_shared>>) dst(%arg9 : memref<128x128xf32, #tpu.memory_space<vmem>>)
      %mul3A_219 = arith.constant 128 : i32
      %mul3A_220 = arith.muli %add3A_208, %mul3A_219 : i32
      %sub3A_221 = arith.constant 128 : i32
      %sub3A_222 = arith.subi %select_n3A, %sub3A_221 : i32
      %min3A_223 = arith.minsi %mul3A_220, %sub3A_222 : i32
      %multiple_of3A_224 = tpu.assume_multiple %min3A_223, 8 : i32
      %add3A_225 = arith.addi %multiple_of3A, %multiple_of3A_224 : i32
      %dma_start3A_226 = arith.constant 0 : i32
      %dma_start3A_227 = tpu.memref_slice %arg4[%add3A_225, %dma_start3A_226] : memref<100000x128xf32, #tpu.memory_space<hbm>> -> memref<128x128xf32, #tpu.memory_space<hbm>>
      %dma_start3A_228 = arith.constant 0 : i32
      %dma_start3A_229 = tpu.memref_slice %arg4[%add3A_225, %dma_start3A_228] : memref<100000x128xf32, #tpu.memory_space<hbm>> -> memref<128x128xf32, #tpu.memory_space<hbm>>
      tpu.enqueue_dma source(%arg9 : memref<128x128xf32, #tpu.memory_space<vmem>>) target(%dma_start3A_229 : memref<128x128xf32, #tpu.memory_space<hbm>>) target_semaphore(%arg19 : memref<!tpu.dma_semaphore, #tpu.memory_space<semaphore_mem>>)
      %mul3A_230 = arith.constant 5 : i32
      %mul3A_231 = arith.muli %scan3A_62, %mul3A_230 : i32
      %add3A_232 = arith.constant 3 : i32
      %add3A_233 = arith.addi %mul3A_231, %add3A_232 : i32
      %mul3A_234 = arith.constant 128 : i32
      %mul3A_235 = arith.muli %add3A_233, %mul3A_234 : i32
      %sub3A_236 = arith.constant 128 : i32
      %sub3A_237 = arith.subi %select_n3A, %sub3A_236 : i32
      %min3A_238 = arith.minsi %mul3A_235, %sub3A_237 : i32
      %multiple_of3A_239 = tpu.assume_multiple %min3A_238, 8 : i32
      %dma_wait3A_240 = tpu.memref_slice %arg5[%multiple_of3A_239] : memref<3200xi32, #tpu.memory_space<vmem>> -> memref<128xi32, #tpu.memory_space<vmem>>
      %dma_wait3A_241 = arith.constant 0 : i32
      %dma_wait3A_242 = arith.constant 0 : i32
      %dma_wait3A_243 = tpu.memref_slice %arg6[%dma_wait3A_241, %dma_wait3A_242] : memref<94x128xf32, #tpu.memory_space<vmem_shared>> -> memref<94x128xf32, #tpu.memory_space<vmem_shared>>
      tpu.wait_indirect_dma semaphore(%arg15 : memref<!tpu.dma_semaphore, #tpu.memory_space<semaphore_mem>>) src(%dma_wait3A_243 : memref<94x128xf32, #tpu.memory_space<vmem_shared>>) dst(%arg10 : memref<128x128xf32, #tpu.memory_space<vmem>>)
      %mul3A_244 = arith.constant 128 : i32
      %mul3A_245 = arith.muli %add3A_233, %mul3A_244 : i32
      %sub3A_246 = arith.constant 128 : i32
      %sub3A_247 = arith.subi %select_n3A, %sub3A_246 : i32
      %min3A_248 = arith.minsi %mul3A_245, %sub3A_247 : i32
      %multiple_of3A_249 = tpu.assume_multiple %min3A_248, 8 : i32
      %add3A_250 = arith.addi %multiple_of3A, %multiple_of3A_249 : i32
      %dma_start3A_251 = arith.constant 0 : i32
      %dma_start3A_252 = tpu.memref_slice %arg4[%add3A_250, %dma_start3A_251] : memref<100000x128xf32, #tpu.memory_space<hbm>> -> memref<128x128xf32, #tpu.memory_space<hbm>>
      %dma_start3A_253 = arith.constant 0 : i32
      %dma_start3A_254 = tpu.memref_slice %arg4[%add3A_250, %dma_start3A_253] : memref<100000x128xf32, #tpu.memory_space<hbm>> -> memref<128x128xf32, #tpu.memory_space<hbm>>
      tpu.enqueue_dma source(%arg10 : memref<128x128xf32, #tpu.memory_space<vmem>>) target(%dma_start3A_254 : memref<128x128xf32, #tpu.memory_space<hbm>>) target_semaphore(%arg20 : memref<!tpu.dma_semaphore, #tpu.memory_space<semaphore_mem>>)
      %mul3A_255 = arith.constant 5 : i32
      %mul3A_256 = arith.muli %scan3A_62, %mul3A_255 : i32
      %add3A_257 = arith.constant 4 : i32
      %add3A_258 = arith.addi %mul3A_256, %add3A_257 : i32
      %mul3A_259 = arith.constant 128 : i32
      %mul3A_260 = arith.muli %add3A_258, %mul3A_259 : i32
      %sub3A_261 = arith.constant 128 : i32
      %sub3A_262 = arith.subi %select_n3A, %sub3A_261 : i32
      %min3A_263 = arith.minsi %mul3A_260, %sub3A_262 : i32
      %multiple_of3A_264 = tpu.assume_multiple %min3A_263, 8 : i32
      %dma_wait3A_265 = tpu.memref_slice %arg5[%multiple_of3A_264] : memref<3200xi32, #tpu.memory_space<vmem>> -> memref<128xi32, #tpu.memory_space<vmem>>
      %dma_wait3A_266 = arith.constant 0 : i32
      %dma_wait3A_267 = arith.constant 0 : i32
      %dma_wait3A_268 = tpu.memref_slice %arg6[%dma_wait3A_266, %dma_wait3A_267] : memref<94x128xf32, #tpu.memory_space<vmem_shared>> -> memref<94x128xf32, #tpu.memory_space<vmem_shared>>
      tpu.wait_indirect_dma semaphore(%arg16 : memref<!tpu.dma_semaphore, #tpu.memory_space<semaphore_mem>>) src(%dma_wait3A_268 : memref<94x128xf32, #tpu.memory_space<vmem_shared>>) dst(%arg11 : memref<128x128xf32, #tpu.memory_space<vmem>>)
      %mul3A_269 = arith.constant 128 : i32
      %mul3A_270 = arith.muli %add3A_258, %mul3A_269 : i32
      %sub3A_271 = arith.constant 128 : i32
      %sub3A_272 = arith.subi %select_n3A, %sub3A_271 : i32
      %min3A_273 = arith.minsi %mul3A_270, %sub3A_272 : i32
      %multiple_of3A_274 = tpu.assume_multiple %min3A_273, 8 : i32
      %add3A_275 = arith.addi %multiple_of3A, %multiple_of3A_274 : i32
      %dma_start3A_276 = arith.constant 0 : i32
      %dma_start3A_277 = tpu.memref_slice %arg4[%add3A_275, %dma_start3A_276] : memref<100000x128xf32, #tpu.memory_space<hbm>> -> memref<128x128xf32, #tpu.memory_space<hbm>>
      %dma_start3A_278 = arith.constant 0 : i32
      %dma_start3A_279 = tpu.memref_slice %arg4[%add3A_275, %dma_start3A_278] : memref<100000x128xf32, #tpu.memory_space<hbm>> -> memref<128x128xf32, #tpu.memory_space<hbm>>
      tpu.enqueue_dma source(%arg11 : memref<128x128xf32, #tpu.memory_space<vmem>>) target(%dma_start3A_279 : memref<128x128xf32, #tpu.memory_space<hbm>>) target_semaphore(%arg21 : memref<!tpu.dma_semaphore, #tpu.memory_space<semaphore_mem>>)
    }
    %scan3A_41 = arith.constant 5 : i32
    %dma_wait3A_42 = arith.constant 0 : i32
    %dma_wait3A_43 = tpu.memref_slice %arg4[%multiple_of3A, %dma_wait3A_42] : memref<100000x128xf32, #tpu.memory_space<hbm>> -> memref<128x128xf32, #tpu.memory_space<hbm>>
    %dma_wait3A_44 = arith.constant 0 : i32
    %dma_wait3A_45 = tpu.memref_slice %arg4[%multiple_of3A, %dma_wait3A_44] : memref<100000x128xf32, #tpu.memory_space<hbm>> -> memref<128x128xf32, #tpu.memory_space<hbm>>
    tpu.wait_dma2 semaphore(%arg17 : memref<!tpu.dma_semaphore, #tpu.memory_space<semaphore_mem>>) src(%arg7 : memref<128x128xf32, #tpu.memory_space<vmem>>) dst(%dma_wait3A_45 : memref<128x128xf32, #tpu.memory_space<hbm>>)
    %dma_wait3A_46 = arith.constant 0 : i32
    %dma_wait3A_47 = tpu.memref_slice %arg4[%multiple_of3A, %dma_wait3A_46] : memref<100000x128xf32, #tpu.memory_space<hbm>> -> memref<128x128xf32, #tpu.memory_space<hbm>>
    %dma_wait3A_48 = arith.constant 0 : i32
    %dma_wait3A_49 = tpu.memref_slice %arg4[%multiple_of3A, %dma_wait3A_48] : memref<100000x128xf32, #tpu.memory_space<hbm>> -> memref<128x128xf32, #tpu.memory_space<hbm>>
    tpu.wait_dma2 semaphore(%arg18 : memref<!tpu.dma_semaphore, #tpu.memory_space<semaphore_mem>>) src(%arg8 : memref<128x128xf32, #tpu.memory_space<vmem>>) dst(%dma_wait3A_49 : memref<128x128xf32, #tpu.memory_space<hbm>>)
    %dma_wait3A_50 = arith.constant 0 : i32
    %dma_wait3A_51 = tpu.memref_slice %arg4[%multiple_of3A, %dma_wait3A_50] : memref<100000x128xf32, #tpu.memory_space<hbm>> -> memref<128x128xf32, #tpu.memory_space<hbm>>
    %dma_wait3A_52 = arith.constant 0 : i32
    %dma_wait3A_53 = tpu.memref_slice %arg4[%multiple_of3A, %dma_wait3A_52] : memref<100000x128xf32, #tpu.memory_space<hbm>> -> memref<128x128xf32, #tpu.memory_space<hbm>>
    tpu.wait_dma2 semaphore(%arg19 : memref<!tpu.dma_semaphore, #tpu.memory_space<semaphore_mem>>) src(%arg9 : memref<128x128xf32, #tpu.memory_space<vmem>>) dst(%dma_wait3A_53 : memref<128x128xf32, #tpu.memory_space<hbm>>)
    %dma_wait3A_54 = arith.constant 0 : i32
    %dma_wait3A_55 = tpu.memref_slice %arg4[%multiple_of3A, %dma_wait3A_54] : memref<100000x128xf32, #tpu.memory_space<hbm>> -> memref<128x128xf32, #tpu.memory_space<hbm>>
    %dma_wait3A_56 = arith.constant 0 : i32
    %dma_wait3A_57 = tpu.memref_slice %arg4[%multiple_of3A, %dma_wait3A_56] : memref<100000x128xf32, #tpu.memory_space<hbm>> -> memref<128x128xf32, #tpu.memory_space<hbm>>
    tpu.wait_dma2 semaphore(%arg20 : memref<!tpu.dma_semaphore, #tpu.memory_space<semaphore_mem>>) src(%arg10 : memref<128x128xf32, #tpu.memory_space<vmem>>) dst(%dma_wait3A_57 : memref<128x128xf32, #tpu.memory_space<hbm>>)
    %dma_wait3A_58 = arith.constant 0 : i32
    %dma_wait3A_59 = tpu.memref_slice %arg4[%multiple_of3A, %dma_wait3A_58] : memref<100000x128xf32, #tpu.memory_space<hbm>> -> memref<128x128xf32, #tpu.memory_space<hbm>>
    %dma_wait3A_60 = arith.constant 0 : i32
    %dma_wait3A_61 = tpu.memref_slice %arg4[%multiple_of3A, %dma_wait3A_60] : memref<100000x128xf32, #tpu.memory_space<hbm>> -> memref<128x128xf32, #tpu.memory_space<hbm>>
    tpu.wait_dma2 semaphore(%arg21 : memref<!tpu.dma_semaphore, #tpu.memory_space<semaphore_mem>>) src(%arg11 : memref<128x128xf32, #tpu.memory_space<vmem>>) dst(%dma_wait3A_61 : memref<128x128xf32, #tpu.memory_space<hbm>>)
    return
  }
}

</mosaic_0001>

<sc_bundles>
// kernel: kernel.3.cloned.1.call-start
scs
__scs_entry_jumppad:
0x0: {  	(pc) =	sbr.rel $0x88, $3  }
0x1: {  	(tag) =	ssettag $0x0;
	lr =	simm.s32 $0x1  }
0x2: {  	[smem:$0x3F9F] =	sst lr;
	_ =	strace $0xD0000000  }
0x3: {  	_ = 	snop  }
0x4: {  	_ = 	snop  }
0x5: {  	_ = 	snop  }
0x6: {  	_ = 	snop  }
0x7: {  	_ = 	snop  }
__scs_overlays_trampoline_lowered:
0x8: {  	[smem:$0x3FAE] =	sst s0  }
0x9: {  	[smem:$0x3FAF] =	sst s1  }
0xa: {  	[smem:$0x3FB0] =	sst s2  }
0xb: {  	[smem:$0x3FB1] =	sst s3  }
0xc: {  	[smem:$0x3FB2] =	sst s4  }
0xd: {  	[smem:$0x3FB3] =	sst s5  }
0xe: {  	[smem:$0x3FB4] =	sst s6  }
0xf: {  	[smem:$0x3FB5] =	sst s7  }
0x10: {  	[smem:$0x3FB6] =	sst s8  }
0x11: {  	[smem:$0x3FB7] =	sst s9;
	s0 =	simm.s32 @!p0 $0x0  }
0x12: {  	s1 =	sld [smem:$0x3F9D];
	s0 =	simm.s32 @p0 $0x1  }
0x13: {  	[smem:$0x3FB8] =	sst s0;
	s0 =	simm.s32 @!p1 $0x0  }
0x14: {  	s2 =	sld [smem:$0x3F9C];
	s0 =	simm.s32 @p1 $0x1  }
0x15: {  	[smem:$0x3FB9] =	sst s0;
	s0 =	simm.s32 @!p2 $0x0  }
0x16: {  	s3 =	sld [smem:$0x3FDB];
	s0 =	simm.s32 @p2 $0x1  }
0x17: {  	s4 =	simm.s32 $0x1BF5;
	[smem:$0x3FBB] =	sst s0  }
0x18: {  	s0 =	sld [smem:$0x3F9E];
	_ =	swait.ge [sflag:s4], $0x0  }
0x19: {  	s7 =	sld [smem:$0x3F9F]  }
0x1a: {  	s8 =	sadd.s32 $0xFFFFE003, lr  }
0x1b: {  	s9 =	sadd.s32 $0xFFFFFEF7, lr;
	s5 =	simm.s32 $0xFFFFFFFF;
	p2 =	slt.u32 s8, $0xFFFFF086  }
0x1c: {  	p1 =	slt.u32 s9, $0xF7A;
	s5 =	simm.s32 @!p2 $0x0  }
0x1d: {  	s5 =	simm.s32 @p1 $0x1;
	p0 =	seq.s32 s7, s2  }
0x1e: {  	s7 =	smul.u32 @!p0 $0xF7A, s2;
	p2 =	seq.s32 @!p0 s5, $0x0  }
0x1f: {  	s9 =	smul.u32 $0xF7A, s1;
	s8 =	simm.s32 @!p0 $0x1BF5;
	p2 =	por !p2, p0  }
0x20: {  	[sflag:s8] =	ssyncset.s32 @!p0 $0xFFFFF086;
	s6 =	sadd.s32 @!p0 s3, s7;
	s7 =	simm.s32 @!p0 $0x108  }
0x21: {  	s3 =	sadd.s32 s3, s9;
	s6 =	sadd.s32 @!p0 $0x88, s6;
	s7 =	simm.s32 @p2 $0x1082  }
0x22: {  	[simem:s7], [sflag:s8] =	dma.local @!p0 [hbm:s6], $0xF7A  }
0x23: {  	s9 =	sor.u32 $0xD0000000, s2;
	s6 =	simm.s32 $0x108;
	_ =	swait.ge @!p0 [sflag:s8], $0x0  }
0x24: {  	s3 =	sadd.s32 $0x88, s3;
	s6 =	simm.s32 @!p1 $0x1082;
	[sflag:s4] =	ssyncset.s32 $0xFFFFF086  }
0x25: {  	[simem:s6], [sflag:s4] =	dma.local [hbm:s3], $0xF7A  }
0x26: {  	[smem:$0x3F9F] =	sst s1;
	(tag) =	ssettag s2;
	_ =	strace s9  }
0x27: {  	s1 =	sld [smem:$0x3FAF]  }
0x28: {  	s2 =	sld [smem:$0x3FB0]  }
0x29: {  	s4 =	sld [smem:$0x3FB2]  }
0x2a: {  	p0 =	seq.s32 s5, $0x0;
	s5 =	sld [smem:$0x3FB3]  }
0x2b: {  	s6 =	sld [smem:$0x3FB4]  }
0x2c: {  	s7 =	sld [smem:$0x3FB5]  }
0x2d: {  	s3 =	simm.s32 $0x108;
	s8 =	sld [smem:$0x3FB6]  }
0x2e: {  	s3 =	simm.s32 @!p0 $0x1082;
	s9 =	sld [smem:$0x3FB7]  }
0x2f: {  	lr =	sadd.s32 s0, s3;
	s0 =	sld [smem:$0x3FAE]  }
0x30: {  	s3 =	sld [smem:$0x3FB1]  }
0x31: {  	[smem:$0x3FBA] =	sst s10  }
0x32: {  	s10 =	sld [smem:$0x3FB8];
	_ =	sdelay $0x3  }
0x33: {  	p0 =	seq.s32 s10, $0x1;
	s10 =	sld [smem:$0x3FBA];
	_ =	sdelay $0x3  }
0x34: {  	[smem:$0x3FBA] =	sst s10  }
0x35: {  	s10 =	sld [smem:$0x3FB9];
	_ =	sdelay $0x3  }
0x36: {  	p1 =	seq.s32 s10, $0x1;
	s10 =	sld [smem:$0x3FBA];
	_ =	sdelay $0x3  }
0x37: {  	[smem:$0x3FBA] =	sst s10  }
0x38: {  	s10 =	sld [smem:$0x3FBB]  }
0x39: {  	_ = 	snop;
	(pc) =	sbr.ind lr, $3  }
0x3a: {  	_ = 	snop  }
0x3b: {  	_ = 	snop  }
0x3c: {  	p2 =	seq.s32 s10, $0x1;
	s10 =	sld [smem:$0x3FBA]  }
0x3d: {  	_ =	shalt  }
0x3e: {  	_ =	shalt  }
0x3f: {  	_ =	shalt  }
0x40: {  	_ =	shalt  }
0x41: {  	_ =	shalt  }
0x42: {  	_ =	shalt  }
0x43: {  	_ =	shalt  }
0x44: {  	_ =	shalt  }
0x45: {  	_ =	shalt  }
0x46: {  	_ =	shalt  }
0x47: {  	_ =	shalt  }
0x48: {  	_ =	shalt  }
0x49: {  	_ =	shalt  }
0x4a: {  	_ =	shalt  }
0x4b: {  	_ =	shalt  }
0x4c: {  	_ =	shalt  }
0x4d: {  	_ =	shalt  }
0x4e: {  	_ =	shalt  }
0x4f: {  	_ =	shalt  }
0x50: {  	_ =	shalt  }
0x51: {  	_ =	shalt  }
0x52: {  	_ =	shalt  }
0x53: {  	_ =	shalt  }
0x54: {  	_ =	shalt  }
0x55: {  	_ =	shalt  }
0x56: {  	_ =	shalt  }
0x57: {  	_ =	shalt  }
0x58: {  	_ =	shalt  }
0x59: {  	_ =	shalt  }
0x5a: {  	_ =	shalt  }
0x5b: {  	_ =	shalt  }
0x5c: {  	_ =	shalt  }
0x5d: {  	_ =	shalt  }
0x5e: {  	_ =	shalt  }
0x5f: {  	_ =	shalt  }
0x60: {  	_ =	shalt  }
0x61: {  	_ =	shalt  }
0x62: {  	_ =	shalt  }
0x63: {  	_ =	shalt  }
0x64: {  	_ =	shalt  }
0x65: {  	_ =	shalt  }
0x66: {  	_ =	shalt  }
0x67: {  	_ =	shalt  }
0x68: {  	_ =	shalt  }
0x69: {  	_ =	shalt  }
0x6a: {  	_ =	shalt  }
0x6b: {  	_ =	shalt  }
0x6c: {  	_ =	shalt  }
0x6d: {  	_ =	shalt  }
0x6e: {  	_ =	shalt  }
0x6f: {  	_ =	shalt  }
0x70: {  	_ =	shalt  }
0x71: {  	_ =	shalt  }
0x72: {  	_ =	shalt  }
0x73: {  	_ =	shalt  }
0x74: {  	_ =	shalt  }
0x75: {  	_ =	shalt  }
0x76: {  	_ =	shalt  }
0x77: {  	_ =	shalt  }
0x78: {  	_ =	shalt  }
0x79: {  	_ =	shalt  }
0x7a: {  	_ =	shalt  }
0x7b: {  	_ =	shalt  }
0x7c: {  	_ =	shalt  }
0x7d: {  	_ =	shalt  }
0x7e: {  	_ =	shalt  }
0x7f: {  	_ =	shalt  }
0x80: {  	_ =	shalt  }
0x81: {  	_ =	shalt  }
0x82: {  	_ =	shalt  }
0x83: {  	_ =	shalt  }
0x84: {  	_ =	shalt  }
0x85: {  	_ =	shalt  }
0x86: {  	_ =	shalt  }
0x87: {  	_ =	shalt  }
.Lfunc_end0:
.L_simem_size_0:
called_computation_lowered:
.L_overlay_start_0:
0x88: {  	s2 =	sld [smem:$0x3FD9]  }
0x89: {  	s3 =	sld [smem:$0x3FFE];
	_ =	sdelay $0x1  }
0x8a: {  	s1 =	srdreg.scid  }
0x8b: {  	s0 =	sand.u32 $0x1, s1  }
0x8c: {  	s17 =	sshll.u32 s0, $0xA;
	s2 =	sadd.s32 s3, s2  }
0x8d: {  	s2 =	sadd.s32 s2, s17  }
0x8e: {  	[smem:$0x3FC6] =	sst s2  }
0x8f: {  	_ = 	snop  }
0x90: {  	s2 =	sld [smem:$0x3FC8]  }
0x91: {  	s18 =	sld [smem:$0x3FD0];
	(tm) =	ssettm $0x1  }
0x92: {  	s4 =	sld [smem:$0x3FFB];
	_ =	sdelay $0x3  }
0x93: {  	_ =	strace s4  }
0x94: {  	s4 =	sld [smem:$0x3FFC];
	_ =	sdelay $0x3  }
0x95: {  	_ =	strace s4  }
0x96: {  	s4 =	sld [smem:$0x3FFD];
	_ =	sdelay $0x3  }
0x97: {  	_ =	strace s4  }
0x98: {  	_ =	strace $0x8FFFFFFF  }
0x99: {  	s19 =	sld [smem:$0x3FDB];
	_ =	sdelay $0x1  }
0x9a: {  	s5 =	simm.s32 $_scs_section_size  }
0x9b: {  	s6 =	simm.s32 $_size__tile_overlayer_lowered;
	s7 =	simm.s32 $_tile_overlayer_lowered  }
0x9c: {  	s22 =	simm.s32 $0x1BFF;
	s21 =	sshll.u32 s7, $0x1;
	s4 =	sadd.s32 s5, s19  }
0x9d: {  	s8 =	simm.s32 $0x0;
	s20 =	sshll.u32 s6, $0x1;
	s6 =	sadd.s32 s21, s4  }
0x9e: {  	[timem:s8], [sflag:s22] =	dma.local [hbm:s6], s20  }
0x9f: {  	_ =	swait.ge [sflag:s22], s20  }
0xa0: {  	s5 =	ssub.s32 $0x0, s20;
	[sflag:s22] =	ssyncset.done $0x0  }
0xa1: {  	[sflag:s22] =	ssyncadd.s32 s5;
	_ =	sdelay $0x1  }
0xa2: {  	s23 =	simm.s32 $0x1B8B  }
0xa3: {  	_ =	swait.ge [sflag:s23], $0x1  }
0xa4: {  	[sflag:s23] =	ssyncset.done $0x0  }
0xa5: {  	s25 =	simm.s32 $0x1B8E;
	s24 =	sld [smem:$0x3FFE];
	[sflag:s23] =	ssyncadd.s32 $0xFFFFFFFF  }
0xa6: {  	s26 =	simm.s32 $execute0_lowered;
	[smem:$0x3FD2] =	sst s25  }
0xa7: {  	s6 =	sshll.u32 s26, $0x1;
	_ =	strace $0x80000046;
	[dreg:$0x1] =	wrdreg $0xFFFFFFFF  }
0xa8: {  	s28 =	simm.s32 $_size_execute0_lowered;
	s4 =	sadd.s32 s4, s6;
	[dreg:$0x0] =	wrdreg $0x0  }
0xa9: {  	s6 =	sshll.u32 s28, $0x1;
	[dreg:$0x2] =	wrdreg s4  }
0xaa: {  	[dreg:$0x3] =	wrdreg s6  }
0xab: {  	[dreg:$0x4] =	wrdreg $0xC0  }
0xac: {  	_ =	task [dreg:s8], $0x5FFFF  }
0xad: {  	[dreg:$0x1] =	wrdreg $0xFFFFFFFF  }
0xae: {  	[dreg:$0x0] =	wrdreg $0x60  }
0xaf: {  	[dreg:$0x2] =	wrdreg s24  }
0xb0: {  	[dreg:$0x3] =	wrdreg s2  }
0xb1: {  	[dreg:$0x4] =	wrdreg s18  }
0xb2: {  	[dreg:$0x5] =	wrdreg $0xC800  }
0xb3: {  	[dreg:$0x6] =	wrdreg $0x9  }
0xb4: {  	_ =	task.clear_ibuf [dreg:s8], $0x7FFFF;
	_ =	strace $0x90000046  }
0xb5: {  	s29 =	simm.s32 $0x9;
	_ =	strace $0x80000048  }
0xb6: {  	_ =	swait.ge [sflag:s29], $0x1  }
0xb7: {  	[sflag:s29] =	ssyncadd.s32 $0xFFFFFFFF  }
0xb8: {  	_ =	strace $0x90000048  }
0xb9: {  	_ =	sfence  }
0xba: {  	s30 =	sld [smem:$0x0];
	_ =	sdelay $0x2  }
0xbb: {  	s31 =	sshll.u32 s1, $0xD;
	s1 =	sshrl.u32 s1, $0x2  }
0xbc: {  	s3 =	sand.u32 $0x4000, s31;
	s1 =	sadd.s32 s1, s30  }
0xbd: {  	s0 =	sor.u32 s3, s0;
	s1 =	sshll.u32 s1, $0x11  }
0xbe: {  	s0 =	sor.u32 s1, s0  }
0xbf: {  	s0 =	sadd.s32 $0x8F2B, s0  }
0xc0: {  	[sflag:s0] =	ssyncadd.remote.s32 $0x1  }
0xc1: {  	_ =	sfence.sel $0xFFFF  }
0xc2: {  	[dreg:$0x0] =	wrdreg $0xFFFFFFFF;
	(pc) =	sbr.abs _section_cstart, $3  }
0xc3: {  	[dreg:$0x1] =	wrdreg $0xFFFFFFFF  }
0xc4: {  	_ =	task.clear_ibuf [dreg:s8], $0x2FFFF;
	_ =	strace $0x9FFFFFFF  }
0xc5: {  	(tm) =	ssettm $0x7FFFFFFF  }
tec
execute0_lowered:
.L_overlay_start_1:
0x0: {  	(tag) =	ssettag $0x1  }
0x1: {  	s0 =	rddreg [dreg:$0x0]  }
0x2: {  	s1 =	rddreg [dreg:$0x1]  }
0x3: {  	s2 =	rddreg [dreg:$0x2];
	s4 =	srdreg.scid  }
0x4: {  	s11 =	stileid.u32;
	s3 =	rddreg [dreg:$0x3];
	s7 =	simm.s32 $0xBD8  }
0x5: {  	s26 =	simm.s32 $0x80;
	s16 =	simm.s32 $0x10F70;
	s28 =	simm.s32 $0xF70  }
0x6: {  	s6 =	sand.u32 $0x1, s4;
	s4 =	simm.s32 $0x0;
	s22 =	sshll.u32 s11, $0x6  }
0x7: {  	s29 =	simm.s32 $0x4F70;
	[smem:$0x7FF] =	sst s4;
	s23 =	sor.u32 $0x1C0C, s22  }
0x8: {  	s30 =	simm.s32 $0x8F70;
	_ =	strace $0x80000047;
	[dreg:$0xe] =	wrdreg s23  }
0x9: {  	s31 =	simm.s32 $0xCF70;
	s5 =	sshll.u32 s11, $0x1;
	[dreg:$0x5] =	wrdreg s26  }
0xa: {  	s10 =	smul.u32 $0x6, s11;
	s5 =	sor.u32 s6, s5;
	[dreg:$0x6] =	wrdreg s28  }
0xb: {  	s6 =	ssub.s32 $0x2, s6;
	p0 =	seq.s32 s5, $0x1F;
	[dreg:$0x7] =	wrdreg s29  }
0xc: {  	s5 =	smul.u32 $0xC38, s5;
	s8 =	sshrl.u32 s6, $0x1;
	[dreg:$0x8] =	wrdreg s30  }
0xd: {  	s20 =	smin.u32 s10, $0x58;
	[dreg:$0x9] =	wrdreg s31;
	s7 =	simm.s32 @!p0 $0xC38  }
0xe: {  	s6 =	ssub.s32 s6, s8;
	s21 =	sshll.u32 s20, $0x7;
	s9 =	sadd.s32 $0xFFFFFF20, s7  }
0xf: {  	s19 =	sshrl.u32 s5, $0x3;
	s11 =	sadd.s32 $0xFFFFFF80, s7;
	s24 =	smax.u32 s6, $0x1  }
0x10: {  	s6 =	simm.s32 $0x0;
	[dreg:$0xa] =	wrdreg s9;
	s9 =	sadd.s32 s5, s9  }
0x11: {  	s8 =	sadd.s32 s0, s19;
	[dreg:$0xf] =	wrdreg s24;
	s9 =	sshrl.u32 s9, $0x3  }
0x12: {  	[dreg:$0xb] =	wrdreg s8;
	s8 =	sadd.s32 s21, s3;
	s0 =	sadd.s32 s0, s9  }
0x13: {  	s25 =	sshrl.u32 s8, $0x3;
	[dreg:$0xc] =	wrdreg s0;
	s0 =	sshll.u32 s20, $0x4  }
0x14: {  	s19 =	simm.s32 $0x3;
	[dreg:$0x10] =	wrdreg s25;
	s0 =	sadd.s32 s1, s0  }
0x15: {  	s21 =	simm.s32 $0x5;
	s20 =	simm.s32 $0x4;
	[dreg:$0xd] =	wrdreg s0  }
.LBB2_1:
0x16: {  	[dreg:$0x11] =	wrdreg s6  }
0x17: {  	s0 =	rddreg [dreg:$0xb]  }
0x18: {  	s17 =	rddreg [dreg:$0xa]  }
0x19: {  	s1 =	rddreg [dreg:$0xc]  }
0x1a: {  	s18 =	rddreg [dreg:$0xd]  }
0x1b: {  	s22 =	rddreg [dreg:$0xe]  }
0x1c: {  	s23 =	rddreg [dreg:$0x10];
	s24 =	simm.s32 $0xC  }
0x1d: {  	s25 =	simm.s32 $0xB;
	p2 =	por $0x0, $0x0;
	s15 =	simm.s32 $0x0  }
0x1e: {  	[tilespmem:s4], [sflag:$0xB] =	stream.linear.gather [hbm4b:s0+s4], $0xB58, $0x38;
	[tilespmem:$0x14F70] =	vst v63  }
0x1f: {  	s31 =	simm.s32 $0x280;
	p0 =	sgt.s32 @p2 s11, $0x80;
	s6 =	simm.s32 @p2 $0x80  }
0x20: {  	p1 =	sgt.s32 @p2 s11, $0x100;
	s7 =	simm.s32 @p2 $0x100;
	p3 =	sgt.s32 @!p2 s11, $0x0  }
0x21: {  	s8 =	simm.s32 @p2 $0x180;
	s0 =	simm.s32 @p2 $0x200;
	p0 =	por !p0, !p2  }
0x22: {  	[tilespmem:s17], [sflag:$0xB] =	stream.linear.gather [hbm4b:s1+s4], $0xE0, $0x38;
	[tilespmem:$0x14F70] =	vst v63  }
0x23: {  	p1 =	por !p1, !p2;
	s0 =	simm.s32 @!p2 $0x200;
	s6 =	smov.u32 @p0 s11  }
0x24: {  	p0 =	por !p3, p2;
	s7 =	smov.u32 @p1 s11;
	p1 =	sgt.s32 @p2 s11, $0x180  }
0x25: {  	[spmem:s23], [sflag:s22] =	dma.local [hbm:s18], $0x60  }
0x26: {  	s1 =	smov.u32 s11;
	s22 =	simm.s32 $0x280;
	p1 =	por !p1, !p2  }
0x27: {  	s9 =	smov.u32 s7;
	s10 =	smov.u32 s6;
	_ =	swait.ge [sflag:s24], $0x60  }
0x28: {  	s8 =	smov.u32 @p1 s11;
	s9 =	simm.s32 @!p2 $0x100;
	[sflag:s24] =	ssyncset.done $0x0  }
0x29: {  	p1 =	slt.s32 s0, s11;
	s10 =	simm.s32 @!p2 $0x80;
	[sflag:s24] =	ssyncadd.s32 $0xFFFFFFA0  }
0x2a: {  	s9 =	sadd.s32 s5, s9;
	s1 =	smov.u32 @p1 s0;
	[bflag:$0x0] =	sbarrier.arrive $0xFFFF  }
0x2b: {  	p1 =	por p2, p2;
	s23 =	smov.u32 s8;
	_ =	swait.ge [sflag:s25], $0xB58  }
0x2c: {  	s10 =	sadd.s32 s5, s10;
	s12 =	sadd.s32 s5, s1;
	[sflag:s25] =	ssyncset.done $0x0  }
0x2d: {  	s13 =	simm.s32 @p1 $0x6;
	s0 =	sshll.u32 s9, $0x4;
	[sflag:s25] =	ssyncadd.s32 $0xFFFFF4A8  }
0x2e: {  	p3 =	sgt.s32 @p1 s11, $0x0;
	s14 =	simm.s32 @p1 $0x7;
	_ =	swait.ge [sflag:s25], $0xE0  }
0x2f: {  	s23 =	simm.s32 @!p2 $0x180;
	s24 =	simm.s32 @p1 $0x8;
	[sflag:s25] =	ssyncset.done $0x0  }
0x30: {  	s18 =	sshll.u32 s10, $0x4;
	s26 =	sshll.u32 s12, $0x4;
	[sflag:s25] =	ssyncadd.s32 $0xFFFFFF20  }
0x31: {  	p3 =	por !p3, !p1;
	s12 =	simm.s32 @p1 $0xF70;
	_ =	swait.ge @p1 [sflag:s13], $0x4000  }
0x32: {  	s17 =	sadd.s32 s5, s23;
	s23 =	simm.s32 @p1 $0x4F70;
	[sflag:s13] =	ssyncset.done @p1 $0x0  }
0x33: {  	s15 =	smov.u32 @p3 s11;
	[sflag:s13] =	ssyncadd.s32 @p1 $0xFFFFC000;
	s13 =	simm.s32 @p1 $0x80  }
0x34: {  	[tilespmem:s12], [sflag:$0x1] =	stream.indirect.gather @p1 [spmem:s3], $0x80, s15, s13, $0xb8;
	[tilespmem:$0x14F70] =	vst v63  }
0x35: {  	s10 =	sand.u32 $0x1FFFFF80, s18;
	s0 =	sand.u32 $0x1FFFFF80, s0;
	_ =	swait.ge @p1 [sflag:s14], $0x4000  }
0x36: {  	s9 =	sshll.u32 s17, $0x4;
	s10 =	sadd.s32 s2, s10;
	[sflag:s14] =	ssyncset.done @p1 $0x0  }
0x37: {  	s0 =	sadd.s32 s2, s0;
	s12 =	sand.u32 $0x1FFFFF80, s26;
	[sflag:s14] =	ssyncadd.s32 @p1 $0xFFFFC000  }
0x38: {  	[tilespmem:s23], [sflag:$0x2] =	stream.indirect.gather @p1 [spmem:s3], $0x80, s6, s13, $0xb8;
	[tilespmem:$0x14F70] =	vst v63  }
0x39: {  	s25 =	simm.s32 $0x1;
	s12 =	sadd.s32 s2, s12;
	_ =	swait.ge @p1 [sflag:s24], $0x4000  }
0x3a: {  	s14 =	simm.s32 @p1 $0x8F70;
	s6 =	sand.u32 $0x1FFFFF80, s9;
	[sflag:s24] =	ssyncset.done @p1 $0x0  }
0x3b: {  	s9 =	simm.s32 @p1 $0x9;
	s23 =	simm.s32 @p1 $0xA;
	[sflag:s24] =	ssyncadd.s32 @p1 $0xFFFFC000  }
0x3c: {  	[tilespmem:s14], [sflag:$0x3] =	stream.indirect.gather @p1 [spmem:s3], $0x80, s7, s13, $0xb8;
	[tilespmem:$0x14F70] =	vst v63  }
0x3d: {  	s6 =	sadd.s32 s2, s6;
	s7 =	simm.s32 @!p1 $0xCF70;
	s14 =	simm.s32 $0x0  }
0x3e: {  	_ =	swait.ge @p1 [sflag:s9], $0x4000;
	s14 =	smov.u32 @p0 s11;
	p0 =	por $0x1, $0x1  }
0x3f: {  	[sflag:s9] =	ssyncset.done @p1 $0x0;
	p2 =	sgt.s32 @p0 s11, $0x300;
	s30 =	simm.s32 @p0 $0x380  }
0x40: {  	[sflag:s9] =	ssyncadd.s32 @p1 $0xFFFFC000;
	s9 =	simm.s32 @p1 $0xCF70;
	p2 =	por !p2, !p0  }
0x41: {  	[tilespmem:s9], [sflag:$0x4] =	stream.indirect.gather @p1 [spmem:s3], $0x80, s8, s13, $0xb8;
	[tilespmem:$0x14F70] =	vst v63  }
0x42: {  	s9 =	simm.s32 @p0 $0x300;
	s8 =	smov.u32 s14;
	_ =	swait.ge @p1 [sflag:s23], $0x4000  }
0x43: {  	s13 =	simm.s32 @!p1 $0x80;
	s8 =	smov.u32 @p1 s15;
	[sflag:s23] =	ssyncset.done @p1 $0x0  }
0x44: {  	s15 =	simm.s32 @!p1 $0xF70;
	s9 =	smov.u32 @p2 s11;
	[sflag:s23] =	ssyncadd.s32 @p1 $0xFFFFC000  }
0x45: {  	[tilespmem:s15], [sflag:$0x1] =	stream.indirect.gather @!p1 [spmem:s3], $0x80, s14, s13, $0xb8;
	[tilespmem:$0x14F70] =	vst v63  }
0x46: {  	p2 =	sgt.s32 @!p0 s11, $0x280;
	s8 =	sadd.s32 s5, s8;
	s14 =	simm.s32 @!p1 $0x4F70  }
0x47: {  	[tilespmem:s14], [sflag:$0x2] =	stream.indirect.gather @!p1 [spmem:s3], $0x80, s13, s13, $0xb8;
	[tilespmem:$0x14F70] =	vst v63  }
0x48: {  	s8 =	sshll.u32 s8, $0x4;
	s15 =	simm.s32 @!p1 $0x8F70;
	s14 =	simm.s32 @!p1 $0x100  }
0x49: {  	[tilespmem:s15], [sflag:$0x3] =	stream.indirect.gather @!p1 [spmem:s3], $0x80, s14, s13, $0xb8;
	[tilespmem:$0x14F70] =	vst v63  }
0x4a: {  	s23 =	rddreg [dreg:$0x5];
	s24 =	sand.u32 $0x1FFFFF80, s8;
	s14 =	simm.s32 @!p1 $0x180  }
0x4b: {  	[tilespmem:s7], [sflag:$0x4] =	stream.indirect.gather @!p1 [spmem:s3], $0x80, s14, s13, $0xb8;
	[tilespmem:$0x14F70] =	vst v63  }
0x4c: {  	s8 =	simm.s32 $0x500;
	p1 =	sgt.s32 @p0 s11, $0x380;
	s13 =	simm.s32 @p0 $0x480  }
0x4d: {  	s7 =	sadd.s32 s2, s24;
	s14 =	simm.s32 $0x2;
	p3 =	por !p1, !p0  }
0x4e: {  	[tilespmem:s16], [sflag:$0x5] =	stream.indirect.gather [spmem:s3], $0x80, s1, s23, $0xb8;
	[tilespmem:$0x14F70] =	vst v63  }
0x4f: {  	p1 =	por !p2, p0;
	p2 =	sgt.s32 @p0 s11, $0x400;
	_ =	swait.ge [sflag:s25], $0x4000  }
0x50: {  	s13 =	simm.s32 @!p0 $0x200;
	s30 =	smov.u32 @p3 s11;
	[sflag:s25] =	ssyncset.done $0x0  }
0x51: {  	s1 =	simm.s32 @p0 $0x400;
	s26 =	rddreg [dreg:$0x6];
	[sflag:s25] =	ssyncadd.s32 $0xFFFFC000  }
0x52: {  	[hbm4b:s7+s4] =	stream.linear.scatter [tilespmem:s26], [sflag:$0x6], $0x4000, $0x38;
	[tilespmem:$0x14F70] =	vst v63  }
0x53: {  	p2 =	por !p2, !p0;
	s31 =	smov.u32 @p1 s11;
	s7 =	smov.u32 s30  }
0x54: {  	s1 =	smov.u32 @p2 s11;
	p2 =	slt.s32 s13, s11;
	s7 =	simm.s32 @!p0 $0x100  }
0x55: {  	_ =	swait.ge [sflag:s14], $0x4000;
	s17 =	sadd.s32 s5, s7;
	s7 =	smov.u32 s11  }
0x56: {  	s15 =	rddreg [dreg:$0x7];
	[sflag:s14] =	ssyncset.done $0x0;
	s7 =	smov.u32 @p2 s13  }
0x57: {  	[sflag:s14] =	ssyncadd.s32 $0xFFFFC000;
	s13 =	smov.u32 s9;
	s29 =	sshll.u32 s17, $0x4  }
0x58: {  	[hbm4b:s10+s4] =	stream.linear.scatter [tilespmem:s15], [sflag:$0x7], $0x4000, $0x38;
	[tilespmem:$0x14F70] =	vst v63  }
0x59: {  	s18 =	sadd.s32 s5, s7;
	s13 =	simm.s32 @!p0 $0x80;
	s15 =	smov.u32 s1  }
0x5a: {  	_ =	swait.ge [sflag:s19], $0x4000;
	s10 =	sshll.u32 s18, $0x4;
	s13 =	sadd.s32 s5, s13  }
0x5b: {  	s15 =	simm.s32 @!p0 $0x180;
	p0 =	por p0, p0;
	[sflag:s19] =	ssyncset.done $0x0  }
0x5c: {  	s23 =	rddreg [dreg:$0x8];
	s10 =	sand.u32 $0x1FFFFF80, s10;
	[sflag:s19] =	ssyncadd.s32 $0xFFFFC000  }
0x5d: {  	[hbm4b:s0+s4] =	stream.linear.scatter [tilespmem:s23], [sflag:$0x8], $0x4000, $0x38;
	[tilespmem:$0x14F70] =	vst v63  }
0x5e: {  	s24 =	sadd.s32 s5, s15;
	s13 =	sshll.u32 s13, $0x4;
	_ =	swait.ge [sflag:s20], $0x4000  }
0x5f: {  	s28 =	simm.s32 @p0 $0x4F70;
	s15 =	simm.s32 @p0 $0x8;
	[sflag:s20] =	ssyncset.done $0x0  }
0x60: {  	s25 =	sshll.u32 s24, $0x4;
	s26 =	rddreg [dreg:$0x9];
	[sflag:s20] =	ssyncadd.s32 $0xFFFFC000  }
0x61: {  	[hbm4b:s6+s4] =	stream.linear.scatter [tilespmem:s26], [sflag:$0x9], $0x4000, $0x38;
	[tilespmem:$0x14F70] =	vst v63  }
0x62: {  	s24 =	simm.s32 @p0 $0xA;
	s0 =	sand.u32 $0x1FFFFF80, s13;
	_ =	swait.ge [sflag:s21], $0x4000  }
0x63: {  	s14 =	sand.u32 $0x1FFFFF80, s25;
	s25 =	simm.s32 @p0 $0x9;
	[sflag:s21] =	ssyncset.done $0x0  }
0x64: {  	s6 =	simm.s32 @!p0 $0xCF70;
	s26 =	simm.s32 @p0 $0x8F70;
	[sflag:s21] =	ssyncadd.s32 $0xFFFFC000  }
.LBB2_2:
0x65: {  	s18 =	simm.s32 $0x10F70;
	s23 =	smov.u32 s8  }
0x66: {  	s13 =	smov.u32 s14;
	p1 =	sne.s32 s8, $0x0;
	p2 =	slt.s32 @p0 s22, s11  }
0x67: {  	[hbm4b:s12+s4] =	stream.linear.scatter [tilespmem:s18], [sflag:$0xA], $0x4000, $0x38;
	[tilespmem:$0x14F70] =	vst v63  }
0x68: {  	s16 =	simm.s32 @p0 $0x7;
	s12 =	smov.u32 s10;
	s10 =	simm.s32 @p0 $0x6  }
0x69: {  	s17 =	simm.s32 @p0 $0xF70;
	s14 =	sadd.s32 @p1 $0x80, s8;
	_ =	swait.ge @p0 [sflag:s10], $0x4000  }
0x6a: {  	p2 =	por !p2, !p0;
	p3 =	slt.s32 @!p1 s8, s11;
	[sflag:s10] =	ssyncset.done @p0 $0x0  }
0x6b: {  	s22 =	smov.u32 @p2 s11;
	[sflag:s10] =	ssyncadd.s32 @p0 $0xFFFFC000;
	s10 =	simm.s32 @p0 $0x80  }
0x6c: {  	[tilespmem:s17], [sflag:$0x1] =	stream.indirect.gather @p0 [spmem:s3], $0x80, s22, s10, $0xb8;
	[tilespmem:$0x14F70] =	vst v63  }
0x6d: {  	s13 =	sadd.s32 s2, s13;
	p2 =	slt.s32 @p1 s14, s11;
	s17 =	smov.u32 s31  }
0x6e: {  	s12 =	sadd.s32 s2, s12;
	_ =	swait.ge @p0 [sflag:s16], $0x4000;
	s17 =	smov.u32 @p0 s22  }
0x6f: {  	p2 =	por !p2, !p1;
	[sflag:s16] =	ssyncset.done @p0 $0x0;
	s17 =	sadd.s32 s5, s17  }
0x70: {  	s14 =	smov.u32 @p2 s11;
	[sflag:s16] =	ssyncadd.s32 @p0 $0xFFFFC000;
	s22 =	sshll.u32 s17, $0x4  }
0x71: {  	[tilespmem:s28], [sflag:$0x2] =	stream.indirect.gather @p0 [spmem:s3], $0x80, s9, s10, $0xb8;
	[tilespmem:$0x14F70] =	vst v63  }
0x72: {  	s17 =	sadd.s32 @p1 $0x100, s8;
	s16 =	simm.s32 @p0 $0xCF70;
	s9 =	sand.u32 $0x1FFFFF80, s22  }
0x73: {  	p2 =	slt.s32 @p1 s17, s11;
	s22 =	simm.s32 @!p0 $0x8F70;
	_ =	swait.ge @p0 [sflag:s15], $0x4000  }
0x74: {  	p4 =	por !p2, !p1;
	p2 =	por !p3, p1;
	[sflag:s15] =	ssyncset.done @p0 $0x0  }
0x75: {  	s9 =	sadd.s32 s2, s9;
	[sflag:s15] =	ssyncadd.s32 @p0 $0xFFFFC000;
	s15 =	sadd.s32 @p1 $0x180, s8  }
0x76: {  	[tilespmem:s26], [sflag:$0x3] =	stream.indirect.gather @p0 [spmem:s3], $0x80, s30, s10, $0xb8;
	[tilespmem:$0x14F70] =	vst v63  }
0x77: {  	s8 =	sadd.s32 $0x280, s8;
	s30 =	smov.u32 s17;
	_ =	swait.ge @p0 [sflag:s25], $0x4000  }
0x78: {  	p3 =	slt.s32 @p1 s15, s11;
	s17 =	simm.s32 @!p0 $0xF70;
	[sflag:s25] =	ssyncset.done @p0 $0x0  }
0x79: {  	s30 =	smov.u32 @p4 s11;
	p3 =	por !p3, !p1;
	[sflag:s25] =	ssyncadd.s32 @p0 $0xFFFFC000  }
0x7a: {  	[tilespmem:s16], [sflag:$0x4] =	stream.indirect.gather @p0 [spmem:s3], $0x80, s1, s10, $0xb8;
	[tilespmem:$0x14F70] =	vst v63  }
0x7b: {  	s1 =	smov.u32 s15;
	s10 =	sadd.s32 @p1 $0x200, s23;
	_ =	swait.ge @p0 [sflag:s24], $0x4000  }
0x7c: {  	s15 =	smov.u32 s30;
	s16 =	simm.s32 @!p0 $0x80;
	[sflag:s24] =	ssyncset.done @p0 $0x0  }
0x7d: {  	s1 =	smov.u32 @p3 s11;
	s10 =	simm.s32 @!p1 $0x200;
	[sflag:s24] =	ssyncadd.s32 @p0 $0xFFFFC000  }
0x7e: {  	[tilespmem:s17], [sflag:$0x1] =	stream.indirect.gather @!p0 [spmem:s3], $0x80, s31, s16, $0xb8;
	[tilespmem:$0x14F70] =	vst v63  }
0x7f: {  	s15 =	simm.s32 @!p1 $0x100;
	p3 =	slt.s32 s10, s11;
	s17 =	simm.s32 @!p0 $0x4F70  }
0x80: {  	[tilespmem:s17], [sflag:$0x2] =	stream.indirect.gather @!p0 [spmem:s3], $0x80, s16, s16, $0xb8;
	[tilespmem:$0x14F70] =	vst v63  }
0x81: {  	s15 =	sadd.s32 s5, s15;
	s26 =	rddreg [dreg:$0x5];
	s17 =	smov.u32 s11  }
0x82: {  	s15 =	sshll.u32 s15, $0x4;
	s17 =	smov.u32 @p3 s10;
	s10 =	simm.s32 @!p0 $0x100  }
0x83: {  	[tilespmem:s22], [sflag:$0x3] =	stream.indirect.gather @!p0 [spmem:s3], $0x80, s10, s16, $0xb8;
	[tilespmem:$0x14F70] =	vst v63  }
0x84: {  	p3 =	sne.s32 s8, $0xC80;
	s25 =	sadd.s32 s5, s17;
	s22 =	simm.s32 @!p0 $0x180  }
0x85: {  	[tilespmem:s6], [sflag:$0x4] =	stream.indirect.gather @!p0 [spmem:s3], $0x80, s22, s16, $0xb8;
	[tilespmem:$0x14F70] =	vst v63  }
0x86: {  	s10 =	sshll.u32 s25, $0x4;
	s25 =	simm.s32 $0x2;
	s6 =	smov.u32 s14  }
0x87: {  	[tilespmem:s18], [sflag:$0x5] =	stream.indirect.gather [spmem:s3], $0x80, s7, s26, $0xb8;
	[tilespmem:$0x14F70] =	vst v63  }
0x88: {  	s10 =	sand.u32 $0x1FFFFF80, s10;
	s16 =	smov.u32 s1;
	s7 =	simm.s32 $0x1  }
0x89: {  	p0 =	por p1, p1;
	s6 =	simm.s32 @!p1 $0x80;
	_ =	swait.ge [sflag:s7], $0x4000  }
0x8a: {  	s16 =	simm.s32 @!p1 $0x180;
	s28 =	simm.s32 @p0 $0x4F70;
	[sflag:s7] =	ssyncset.done $0x0  }
0x8b: {  	s6 =	sadd.s32 s5, s6;
	s22 =	rddreg [dreg:$0x6];
	[sflag:s7] =	ssyncadd.s32 $0xFFFFC000  }
0x8c: {  	[hbm4b:s9+s4] =	stream.linear.scatter [tilespmem:s22], [sflag:$0x6], $0x4000, $0x38;
	[tilespmem:$0x14F70] =	vst v63  }
0x8d: {  	s16 =	sadd.s32 s5, s16;
	s18 =	sadd.s32 s2, s0;
	_ =	swait.ge [sflag:s25], $0x4000  }
0x8e: {  	s6 =	sshll.u32 s6, $0x4;
	s24 =	sshll.u32 s16, $0x4;
	[sflag:s25] =	ssyncset.done $0x0  }
0x8f: {  	s6 =	sand.u32 $0x1FFFFF80, s6;
	s26 =	rddreg [dreg:$0x7];
	[sflag:s25] =	ssyncadd.s32 $0xFFFFC000  }
0x90: {  	[hbm4b:s18+s4] =	stream.linear.scatter [tilespmem:s26], [sflag:$0x7], $0x4000, $0x38;
	[tilespmem:$0x14F70] =	vst v63  }
0x91: {  	s9 =	smov.u32 s14;
	s14 =	sand.u32 $0x1FFFFF80, s24;
	_ =	swait.ge [sflag:s19], $0x4000  }
0x92: {  	s22 =	smov.u32 s23;
	s24 =	sand.u32 $0x1FFFFF80, s29;
	[sflag:s19] =	ssyncset.done $0x0  }
0x93: {  	s25 =	sadd.s32 s2, s24;
	s23 =	rddreg [dreg:$0x8];
	[sflag:s19] =	ssyncadd.s32 $0xFFFFC000  }
0x94: {  	[hbm4b:s25+s4] =	stream.linear.scatter [tilespmem:s23], [sflag:$0x8], $0x4000, $0x38;
	[tilespmem:$0x14F70] =	vst v63  }
0x95: {  	s7 =	smov.u32 s17;
	s0 =	smov.u32 s6;
	_ =	swait.ge [sflag:s20], $0x4000  }
0x96: {  	s6 =	simm.s32 @!p0 $0xCF70;
	s29 =	smov.u32 s15;
	[sflag:s20] =	ssyncset.done $0x0  }
.Ltmp0:
0x97: {  	s26 =	rddreg [dreg:$0x9];
	[sflag:s20] =	ssyncadd.s32 $0xFFFFC000;
	(pc) =	sbr.rel @p3 .LBB2_2-.Ltmp0, $4  }
0x98: {  	[hbm4b:s13+s4] =	stream.linear.scatter [tilespmem:s26], [sflag:$0x9], $0x4000, $0x38;
	[tilespmem:$0x14F70] =	vst v63  }
0x99: {  	s15 =	simm.s32 @p0 $0x8;
	s31 =	smov.u32 s22;
	_ =	swait.ge [sflag:s21], $0x4000  }
0x9a: {  	s31 =	smov.u32 @p2 s11;
	s24 =	simm.s32 @p0 $0xA;
	[sflag:s21] =	ssyncset.done $0x0  }
0x9b: {  	s25 =	simm.s32 @p0 $0x9;
	s26 =	simm.s32 @p0 $0x8F70;
	[sflag:s21] =	ssyncadd.s32 $0xFFFFC000  }
0x9c: {  	s13 =	simm.s32 $0x10F70;
	s8 =	simm.s32 @p0 $0x6  }
0x9d: {  	[hbm4b:s12+s4] =	stream.linear.scatter [tilespmem:s13], [sflag:$0xA], $0x4000, $0x38;
	[tilespmem:$0x14F70] =	vst v63  }
0x9e: {  	p1 =	slt.s32 @p0 s22, s11;
	_ =	swait.ge @p0 [sflag:s8], $0x4000  }
0x9f: {  	p1 =	por !p1, !p0;
	s12 =	simm.s32 @p0 $0xF70;
	[sflag:s8] =	ssyncset.done @p0 $0x0  }
0xa0: {  	s22 =	smov.u32 @p1 s11;
	[sflag:s8] =	ssyncadd.s32 @p0 $0xFFFFC000;
	s8 =	simm.s32 @p0 $0x80  }
0xa1: {  	[tilespmem:s12], [sflag:$0x1] =	stream.indirect.gather @p0 [spmem:s3], $0x80, s22, s8, $0xb8;
	[tilespmem:$0x14F70] =	vst v63  }
0xa2: {  	s12 =	simm.s32 @p0 $0x7  }
0xa3: {  	_ =	swait.ge @p0 [sflag:s12], $0x4000  }
0xa4: {  	[sflag:s12] =	ssyncset.done @p0 $0x0  }
0xa5: {  	[sflag:s12] =	ssyncadd.s32 @p0 $0xFFFFC000  }
0xa6: {  	[tilespmem:s28], [sflag:$0x2] =	stream.indirect.gather @p0 [spmem:s3], $0x80, s9, s8, $0xb8;
	[tilespmem:$0x14F70] =	vst v63  }
0xa7: {  	_ =	swait.ge @p0 [sflag:s15], $0x4000  }
0xa8: {  	[sflag:s15] =	ssyncset.done @p0 $0x0  }
0xa9: {  	[sflag:s15] =	ssyncadd.s32 @p0 $0xFFFFC000  }
0xaa: {  	[tilespmem:s26], [sflag:$0x3] =	stream.indirect.gather @p0 [spmem:s3], $0x80, s30, s8, $0xb8;
	[tilespmem:$0x14F70] =	vst v63  }
0xab: {  	_ =	swait.ge @p0 [sflag:s25], $0x4000  }
0xac: {  	[sflag:s25] =	ssyncset.done @p0 $0x0  }
0xad: {  	s9 =	simm.s32 @p0 $0xCF70;
	[sflag:s25] =	ssyncadd.s32 @p0 $0xFFFFC000  }
0xae: {  	[tilespmem:s9], [sflag:$0x4] =	stream.indirect.gather @p0 [spmem:s3], $0x80, s1, s8, $0xb8;
	[tilespmem:$0x14F70] =	vst v63  }
0xaf: {  	_ =	swait.ge @p0 [sflag:s24], $0x4000  }
0xb0: {  	[sflag:s24] =	ssyncset.done @p0 $0x0  }
0xb1: {  	s1 =	simm.s32 @!p0 $0x80;
	s8 =	simm.s32 @!p0 $0xF70;
	[sflag:s24] =	ssyncadd.s32 @p0 $0xFFFFC000  }
0xb2: {  	[tilespmem:s8], [sflag:$0x1] =	stream.indirect.gather @!p0 [spmem:s3], $0x80, s31, s1, $0xb8;
	[tilespmem:$0x14F70] =	vst v63  }
0xb3: {  	s8 =	simm.s32 @!p0 $0x4F70  }
0xb4: {  	[tilespmem:s8], [sflag:$0x2] =	stream.indirect.gather @!p0 [spmem:s3], $0x80, s1, s1, $0xb8;
	[tilespmem:$0x14F70] =	vst v63  }
0xb5: {  	s9 =	simm.s32 @!p0 $0x8F70;
	s8 =	simm.s32 @!p0 $0x100  }
0xb6: {  	[tilespmem:s9], [sflag:$0x3] =	stream.indirect.gather @!p0 [spmem:s3], $0x80, s8, s1, $0xb8;
	[tilespmem:$0x14F70] =	vst v63  }
0xb7: {  	s8 =	simm.s32 @!p0 $0x180  }
0xb8: {  	[tilespmem:s6], [sflag:$0x4] =	stream.indirect.gather @!p0 [spmem:s3], $0x80, s8, s1, $0xb8;
	[tilespmem:$0x14F70] =	vst v63  }
0xb9: {  	s30 =	rddreg [dreg:$0x5];
	s31 =	smov.u32 @p0 s22  }
0xba: {  	[tilespmem:s13], [sflag:$0x5] =	stream.indirect.gather [spmem:s3], $0x80, s7, s30, $0xb8;
	[tilespmem:$0x14F70] =	vst v63  }
0xbb: {  	s8 =	simm.s32 $0x1;
	s7 =	sadd.s32 s5, s31  }
0xbc: {  	_ =	swait.ge [sflag:s8], $0x4000;
	s1 =	sshll.u32 s7, $0x4  }
0xbd: {  	s12 =	simm.s32 $0x2;
	s1 =	sand.u32 $0x1FFFFF80, s1;
	[sflag:s8] =	ssyncset.done $0x0  }
0xbe: {  	s9 =	rddreg [dreg:$0x6];
	[sflag:s8] =	ssyncadd.s32 $0xFFFFC000;
	s1 =	sadd.s32 s2, s1  }
0xbf: {  	[hbm4b:s1+s4] =	stream.linear.scatter [tilespmem:s9], [sflag:$0x6], $0x4000, $0x38;
	[tilespmem:$0x14F70] =	vst v63  }
0xc0: {  	_ =	swait.ge [sflag:s12], $0x4000  }
0xc1: {  	[sflag:s12] =	ssyncset.done $0x0  }
0xc2: {  	s0 =	sadd.s32 s2, s0;
	s15 =	rddreg [dreg:$0x7];
	[sflag:s12] =	ssyncadd.s32 $0xFFFFC000  }
0xc3: {  	[hbm4b:s0+s4] =	stream.linear.scatter [tilespmem:s15], [sflag:$0x7], $0x4000, $0x38;
	[tilespmem:$0x14F70] =	vst v63  }
0xc4: {  	_ =	swait.ge [sflag:s19], $0x4000  }
0xc5: {  	s17 =	sand.u32 $0x1FFFFF80, s29;
	[sflag:s19] =	ssyncset.done $0x0  }
0xc6: {  	s1 =	sadd.s32 s2, s17;
	s16 =	rddreg [dreg:$0x8];
	[sflag:s19] =	ssyncadd.s32 $0xFFFFC000  }
0xc7: {  	[hbm4b:s1+s4] =	stream.linear.scatter [tilespmem:s16], [sflag:$0x8], $0x4000, $0x38;
	[tilespmem:$0x14F70] =	vst v63  }
0xc8: {  	_ =	swait.ge [sflag:s20], $0x4000  }
0xc9: {  	[sflag:s20] =	ssyncset.done $0x0  }
0xca: {  	s22 =	sadd.s32 s2, s14;
	s18 =	rddreg [dreg:$0x9];
	[sflag:s20] =	ssyncadd.s32 $0xFFFFC000  }
0xcb: {  	[hbm4b:s22+s4] =	stream.linear.scatter [tilespmem:s18], [sflag:$0x9], $0x4000, $0x38;
	[tilespmem:$0x14F70] =	vst v63  }
0xcc: {  	_ =	swait.ge [sflag:s21], $0x4000  }
0xcd: {  	[sflag:s21] =	ssyncset.done $0x0  }
0xce: {  	s23 =	sadd.s32 s2, s10;
	s24 =	simm.s32 $0x6;
	[sflag:s21] =	ssyncadd.s32 $0xFFFFC000  }
0xcf: {  	[hbm4b:s23+s4] =	stream.linear.scatter [tilespmem:s13], [sflag:$0xA], $0x4000, $0x38;
	[tilespmem:$0x14F70] =	vst v63  }
0xd0: {  	_ =	swait.ge [sflag:s24], $0x4000  }
0xd1: {  	[sflag:s24] =	ssyncset.done $0x0  }
0xd2: {  	s25 =	simm.s32 $0x7;
	[sflag:s24] =	ssyncadd.s32 $0xFFFFC000  }
0xd3: {  	_ =	swait.ge [sflag:s25], $0x4000  }
0xd4: {  	[sflag:s25] =	ssyncset.done $0x0  }
0xd5: {  	s26 =	simm.s32 $0x8;
	[sflag:s25] =	ssyncadd.s32 $0xFFFFC000  }
0xd6: {  	_ =	swait.ge [sflag:s26], $0x4000  }
0xd7: {  	[sflag:s26] =	ssyncset.done $0x0  }
0xd8: {  	s28 =	simm.s32 $0x9;
	[sflag:s26] =	ssyncadd.s32 $0xFFFFC000  }
0xd9: {  	_ =	swait.ge [sflag:s28], $0x4000  }
0xda: {  	[sflag:s28] =	ssyncset.done $0x0  }
0xdb: {  	s29 =	simm.s32 $0xA;
	[sflag:s28] =	ssyncadd.s32 $0xFFFFC000  }
0xdc: {  	_ =	swait.ge [sflag:s29], $0x4000  }
0xdd: {  	s30 =	rddreg [dreg:$0x11]  }
0xde: {  	s31 =	rddreg [dreg:$0xf];
	s6 =	sadd.s32 $0x1, s30  }
0xdf: {  	p0 =	sne.s32 s6, s31  }
.Ltmp1:
0xe0: {  	_ = 	snop;
	(pc) =	sbr.rel @p0 .LBB2_1-.Ltmp1, $3  }
0xe1: {  	_ =	sdelay $0x1  }
0xe2: {  	[sflag:s29] =	ssyncset.done $0x0  }
0xe3: {  	s16 =	simm.s32 $0x10F70;
	[sflag:s29] =	ssyncadd.s32 $0xFFFFC000  }
0xe4: {  	_ =	sfence.sel $0x180000  }
0xe5: {  	[bflag:$0x0] =	sbarrier.arrive $0xFFFF  }
0xe6: {  	_ =	strace $0x90000047  }
0xe7: {  	s0 =	stileid.u32;
	[bflag:$0x2] =	sbarrier.arrive $0xFFFF  }
0xe8: {  	p0 =	sne.s32 s0, $0x0;
	s0 =	rddreg [dreg:$0x4]  }
0xe9: {  	s0 =	sadd.s32 @!p0 $0x100000, s0  }
0xea: {  	[sflag:s0] =	ssyncadd.tile.s32 @!p0 $0x1;
	_ =	shalt  }
.Lfunc_end2:
_tile_overlayer_lowered:
.L_overlay_start_2:
0xeb: {  	(tag) =	ssettag $0x2  }
0xec: {  	s0 =	rddreg [dreg:$0x0];
	s2 =	stileid.u32  }
0xed: {  	s1 =	rddreg [dreg:$0x1];
	p0 =	sne.s32 s2, $0x0  }
0xee: {  	s3 =	rddreg [dreg:$0x2];
	[bflag:$0x3] =	sbarrier.arrive $0xFFFF;
	s2 =	simm.s32 @!p0 $0x1C0D  }
0xef: {  	[timem:s3], [sflag:s2] =	dma.local @!p0 [hbm:s0], s1  }
0xf0: {  	s0 =	simm.s32 @!p0 $0xD  }
0xf1: {  	_ =	swait.ge @!p0 [sflag:s0], s1  }
0xf2: {  	s1 =	ssub.s32 @!p0 $0x0, s1;
	[sflag:s0] =	ssyncset.done @!p0 $0x0  }
0xf3: {  	[sflag:s0] =	ssyncadd.s32 @!p0 s1  }
0xf4: {  	[bflag:$0x3] =	sbarrier.arrive $0xFFFF  }
0xf5: {  	_ =	shalt  }

</sc_bundles>
